<compile_context>
chip_gen: v7x
topology: tpu7x:2x2x1
jax: 0.10.2.dev20260603
libtpu: 0.0.44.dev20260713+nightly
codegen_flags: <defaults>
</compile_context>

<pallas_src>
import functools

import jax
import jax.numpy as jnp
from jax import lax
from jax.experimental import pallas as pl
from jax.experimental.pallas import tpu as pltpu
from jax.experimental.pallas import tpu_sc as plsc

N = 10000
E = 160000
D_IN = 512
H = 128
G = 64
BN_EPS = 1e-5

N_PAD = 10240
RB = 2048
NW = 32
EPW = E // NW
CW = 125
CHUNKS = EPW // CW
ROWS_PER_SUB = N_PAD // 16

def _dot(a, b):
    return jnp.dot(a, b, preferred_element_type=jnp.float32)


def _mm_body(x_ref, w_ref, o_ref):
    o_ref[...] = _dot(x_ref[...], w_ref[...])


def _first_matmul(x, w):
    return pl.pallas_call(
        _mm_body,
        out_shape=jax.ShapeDtypeStruct((N, H), jnp.float32),
        grid=(N_PAD // 2048,),
        in_specs=[
            pl.BlockSpec((2048, D_IN), lambda i: (i, 0)),
            pl.BlockSpec((D_IN, H), lambda i: (0, 0)),
        ],
        out_specs=pl.BlockSpec((2048, H), lambda i: (i, 0)),
    )(x, w)


@functools.cache
def _build_edge_agg():
    mesh = plsc.VectorSubcoreMesh(core_axis_name="c", subcore_axis_name="s",
                                  num_cores=2, num_subcores=16)
    return pl.kernel(
        _edge_agg_body,
        out_type=jax.ShapeDtypeStruct((2 * N_PAD, H), jnp.float32),
        mesh=mesh,
        scratch_types=[
            pltpu.VMEM((CHUNKS, CW), jnp.int32),
            pltpu.VMEM((CHUNKS, CW), jnp.int32),
            pltpu.VMEM((CW, H), jnp.float32),
            pltpu.VMEM((CW, H), jnp.float32),
            pltpu.VMEM((16, H), jnp.float32),
            pltpu.VMEM_SHARED((N_PAD, H), jnp.float32),
            pltpu.SemaphoreType.DMA,
            pltpu.SemaphoreType.DMA,
        ],
    )


def _edge_agg_body(y_hbm, edge_hbm, out_hbm, src_v, dst_v, rows_a,
                   rows_b, zbuf, acc_sh, sem_a, sem_b):
    c = lax.axis_index("c")
    s = lax.axis_index("s")
    wid = c * 16 + s

    pltpu.sync_copy(edge_hbm.at[0, wid], src_v)
    pltpu.async_copy(y_hbm.at[src_v.at[0]], rows_a, sem_a)
    pltpu.async_copy(y_hbm.at[src_v.at[1]], rows_b, sem_b)
    pltpu.sync_copy(edge_hbm.at[1, wid], dst_v)

    zeros16 = jnp.zeros((16,), jnp.float32)

    def _zb(i, carry):
        zbuf[i // 8, pl.ds((i % 8) * 16, 16)] = zeros16
        return carry

    lax.fori_loop(0, 16 * (H // 16), _zb, 0)

    def _zacc(k, carry):
        pltpu.sync_copy(zbuf, acc_sh.at[pl.ds(s * ROWS_PER_SUB + k * 16, 16)])
        return carry

    lax.fori_loop(0, ROWS_PER_SUB // 16, _zacc, 0)

    plsc.subcore_barrier()

    def _body(k, carry):
        j0 = 2 * k
        pltpu.make_async_copy(y_hbm.at[src_v.at[j0]], rows_a, sem_a).wait()
        pltpu.sync_copy(rows_a, acc_sh.at[dst_v.at[j0]], add=True)

        @pl.when(k < CHUNKS // 2 - 1)
        def _():
            pltpu.async_copy(y_hbm.at[src_v.at[j0 + 2]], rows_a, sem_a)

        pltpu.make_async_copy(y_hbm.at[src_v.at[j0 + 1]], rows_b,
                              sem_b).wait()
        pltpu.sync_copy(rows_b, acc_sh.at[dst_v.at[j0 + 1]], add=True)

        @pl.when(k < CHUNKS // 2 - 1)
        def _():
            pltpu.async_copy(y_hbm.at[src_v.at[j0 + 3]], rows_b, sem_b)
        return carry

    lax.fori_loop(0, CHUNKS // 2, _body, 0)

    plsc.subcore_barrier()

    pltpu.sync_copy(
        acc_sh.at[pl.ds(s * ROWS_PER_SUB, ROWS_PER_SUB)],
        out_hbm.at[pl.ds(c * N_PAD + s * ROWS_PER_SUB, ROWS_PER_SUB)],
    )


def _mlp_body_next(y_ref, a0_ref, a1_ref, sc_ref, bi_ref, w2_ref, b2_ref,
                   wn_ref, bt_ref, yn_ref, pool_ref):
    i = pl.program_id(0)
    z = y_ref[...] + a0_ref[...] + a1_ref[...]
    z = z * sc_ref[...] + bi_ref[...]
    z = jnp.maximum(z, 0.0)
    h = jnp.maximum(_dot(z, w2_ref[...]) + b2_ref[...], 0.0)
    yn_ref[...] = _dot(h, wn_ref[...])

    @pl.when(i == 0)
    def _():
        pool_ref[...] = jnp.zeros_like(pool_ref)

    rvalid = (lax.broadcasted_iota(jnp.int32, (RB, 1), 0) + i * RB) < N
    h = jnp.where(rvalid, h, 0.0)
    seg = lax.broadcasted_iota(jnp.int32, (G, RB), 0)
    mask = (seg == bt_ref[...][None, :]).astype(jnp.float32)
    pool_ref[...] += _dot(mask, h)


def _mlp_body_last(y_ref, a0_ref, a1_ref, sc_ref, bi_ref, w2_ref, b2_ref,
                   bt_ref, p1_ref, p2_ref, l1w_ref, l1b_ref, l2w_ref,
                   l2b_ref, lo_ref, ls_ref, pool_ref):
    i = pl.program_id(0)
    z = y_ref[...] + a0_ref[...] + a1_ref[...]
    z = z * sc_ref[...] + bi_ref[...]
    z = jnp.maximum(z, 0.0)
    h = jnp.maximum(_dot(z, w2_ref[...]) + b2_ref[...], 0.0)

    @pl.when(i == 0)
    def _():
        pool_ref[...] = jnp.zeros_like(pool_ref)

    rvalid = (lax.broadcasted_iota(jnp.int32, (RB, 1), 0) + i * RB) < N
    h = jnp.where(rvalid, h, 0.0)
    seg = lax.broadcasted_iota(jnp.int32, (G, RB), 0)
    mask = (seg == bt_ref[...][None, :]).astype(jnp.float32)
    pool_ref[...] += _dot(mask, h)

    @pl.when(i == pl.num_programs(0) - 1)
    def _():
        q = (_dot(p1_ref[...], l1w_ref[0:H, :])
             + _dot(p2_ref[...], l1w_ref[H:2 * H, :])
             + _dot(pool_ref[...], l1w_ref[2 * H:3 * H, :]))
        q = jnp.maximum(q + l1b_ref[...], 0.0)
        logits = _dot(q, l2w_ref[...]) + l2b_ref[...]
        m = jnp.max(logits, axis=1, keepdims=True)
        ls = logits - m
        ls = ls - jnp.log(jnp.sum(jnp.exp(ls), axis=1, keepdims=True))
        lo_ref[...] = logits
        ls_ref[...] = ls


def _mlp_stage(y, acc, vscale, vbias, w2, b2, batch_pad, wn, head_args=None):
    grid = (N_PAD // RB,)
    row_spec = pl.BlockSpec((RB, H), lambda i: (i, 0))
    acc0_spec = pl.BlockSpec((RB, H), lambda i: (i, 0))
    acc1_spec = pl.BlockSpec((RB, H), lambda i: (i + N_PAD // RB, 0))
    vec_spec = pl.BlockSpec((1, H), lambda i: (0, 0))
    w_spec = pl.BlockSpec((H, H), lambda i: (0, 0))
    bt_spec = pl.BlockSpec((RB,), lambda i: (i,))
    pool_spec = pl.BlockSpec((G, H), lambda i: (0, 0))

    if wn is not None:
        return pl.pallas_call(
            _mlp_body_next,
            out_shape=(
                jax.ShapeDtypeStruct((N, H), jnp.float32),
                jax.ShapeDtypeStruct((G, H), jnp.float32),
            ),
            grid=grid,
            in_specs=[row_spec, acc0_spec, acc1_spec, vec_spec, vec_spec,
                      w_spec, vec_spec, w_spec, bt_spec],
            out_specs=(row_spec, pool_spec),
        )(y, acc, acc, vscale, vbias, w2, b2, wn, batch_pad)
    p1, p2, l1_W, l1_b, l2_W, l2_b = head_args
    small = lambda shape: pl.BlockSpec(shape, lambda i: (0,) * len(shape))
    return pl.pallas_call(
        _mlp_body_last,
        out_shape=(
            jax.ShapeDtypeStruct((G, 2), jnp.float32),
            jax.ShapeDtypeStruct((G, 2), jnp.float32),
            jax.ShapeDtypeStruct((G, H), jnp.float32),
        ),
        grid=grid,
        in_specs=[row_spec, acc0_spec, acc1_spec, vec_spec, vec_spec,
                  w_spec, vec_spec, bt_spec, small((G, H)), small((G, H)),
                  small((3 * H, 64)), small((1, 64)), small((64, 2)),
                  small((1, 2))],
        out_specs=(small((G, 2)), small((G, 2)), pool_spec),
    )(y, acc, acc, vscale, vbias, w2, b2, batch_pad, p1, p2, l1_W,
      l1_b.reshape(1, 64), l2_W, l2_b.reshape(1, 2))


def kernel(x, edge_index, batch,
           c1_W1, c1_b1, c1_g, c1_be, c1_W2, c1_b2,
           c2_W1, c2_b1, c2_g, c2_be, c2_W2, c2_b2,
           c3_W1, c3_b1, c3_g, c3_be, c3_W2, c3_b2,
           l1_W, l1_b, l2_W, l2_b):
    e4 = edge_index.reshape(2, NW, CHUNKS, CW)

    bn = 1.0 / jnp.sqrt(jnp.float32(1.0 + BN_EPS))
    params = []
    for (b1, g, be, w2, b2, wn) in (
        (c1_b1, c1_g, c1_be, c1_W2, c1_b2, c2_W1),
        (c2_b1, c2_g, c2_be, c2_W2, c2_b2, c3_W1),
        (c3_b1, c3_g, c3_be, c3_W2, c3_b2, None),
    ):
        vscale = (g * bn).reshape(1, H)
        vbias = (b1 * g * bn + be).reshape(1, H)
        params.append((vscale, vbias, w2, b2.reshape(1, H), wn))

    y = _first_matmul(x, c1_W1)
    pools = []
    for (vscale, vbias, w2, b2, wn) in params:
        acc = _build_edge_agg()(y, e4)
        if wn is not None:
            y, pool = _mlp_stage(y, acc, vscale, vbias, w2, b2, batch, wn)
            pools.append(pool)
        else:
            head_args = (pools[0], pools[1], l1_W, l1_b, l2_W, l2_b)
            logits, ls, _ = _mlp_stage(y, acc, vscale, vbias, w2, b2,
                                       batch, None, head_args)
    return (logits, ls)

# --- scband reference (transcript-rebuilt; emitter-appended) ---
"""Pipeline reference for scband-gin-18107582120449 (READ-ONLY COPY).

The authoritative reference and input builder live on the scoring server;
editing this copy changes nothing except your own understanding.
"""

import jax, jax.numpy as jnp
import numpy as np

N = 10000
E = 160000
D_IN = 512
H = 128
G = 64
BN_EPS = 1e-5


def setup_inputs(seed: int = 0) -> dict:
    key = jax.random.key(seed)
    ks = jax.random.split(key, 32)
    inp = {}
    inp["x"] = jax.random.normal(ks[0], (N, D_IN), dtype=jnp.float32)
    inp["edge_index"] = jax.random.randint(ks[1], (2, E), 0, N)
    inp["batch"] = jnp.sort(jax.random.randint(ks[2], (N,), 0, G))
    # GINConv MLP params: Linear(in,H), BatchNorm1d(H) (eval: gamma/beta), Linear(H,H)
    dims = [D_IN, H, H]
    i = 3
    for c, din in zip([1, 2, 3], dims):
        inp[f"c{c}_W1"] = jax.random.normal(ks[i], (din, H), dtype=jnp.float32) / jnp.sqrt(din); i += 1
        inp[f"c{c}_b1"] = jnp.zeros((H,), dtype=jnp.float32)
        inp[f"c{c}_g"] = jnp.ones((H,), dtype=jnp.float32)
        inp[f"c{c}_be"] = jnp.zeros((H,), dtype=jnp.float32)
        inp[f"c{c}_W2"] = jax.random.normal(ks[i], (H, H), dtype=jnp.float32) / jnp.sqrt(H); i += 1
        inp[f"c{c}_b2"] = jnp.zeros((H,), dtype=jnp.float32)
    inp["l1_W"] = jax.random.normal(ks[i], (3 * H, 64), dtype=jnp.float32) / jnp.sqrt(3 * H); i += 1
    inp["l1_b"] = jnp.zeros((64,), dtype=jnp.float32)
    inp["l2_W"] = jax.random.normal(ks[i], (64, 2), dtype=jnp.float32) / 8.0; i += 1
    inp["l2_b"] = jnp.zeros((2,), dtype=jnp.float32)
    return inp


def _gin_conv(h, edge_index, W1, b1, g, be, W2, b2):
    # GINConv: MLP((1+eps)*x + sum_{j in N(i)} x_j), eps=0 by default
    msgs = h[edge_index[0]]
    agg = jax.ops.segment_sum(msgs, edge_index[1], num_segments=N)
    z = h + agg
    z = z @ W1 + b1
    # BatchNorm1d in eval mode: running_mean=0, running_var=1
    z = z / jnp.sqrt(1.0 + BN_EPS) * g + be
    z = jax.nn.relu(z)
    z = z @ W2 + b2
    return jax.nn.relu(z)


def reference(x, edge_index, batch,
              c1_W1, c1_b1, c1_g, c1_be, c1_W2, c1_b2,
              c2_W1, c2_b1, c2_g, c2_be, c2_W2, c2_b2,
              c3_W1, c3_b1, c3_g, c3_be, c3_W2, c3_b2,
              l1_W, l1_b, l2_W, l2_b):
    h1 = _gin_conv(x, edge_index, c1_W1, c1_b1, c1_g, c1_be, c1_W2, c1_b2)
    h2 = _gin_conv(h1, edge_index, c2_W1, c2_b1, c2_g, c2_be, c2_W2, c2_b2)
    h3 = _gin_conv(h2, edge_index, c3_W1, c3_b1, c3_g, c3_be, c3_W2, c3_b2)
    p1 = jax.ops.segment_sum(h1, batch, num_segments=G)
    p2 = jax.ops.segment_sum(h2, batch, num_segments=G)
    p3 = jax.ops.segment_sum(h3, batch, num_segments=G)
    h = jnp.concatenate([p1, p2, p3], axis=1)
    h = jax.nn.relu(h @ l1_W + l1_b)
    # Dropout(p=0.8) is identity in eval mode
    h = h @ l2_W + l2_b
    return (h, jax.nn.log_softmax(h, axis=1))

if __name__ == "__main__":
    import jax
    _d = setup_inputs()
    print(jax.jit(kernel)(*tuple(_d.values())))

</pallas_src>

<mosaic_0001>
#map = affine_map<(d0, d1) -> (0, 0)>
#map1 = affine_map<(d0, d1) -> (0, 0, 0, 0)>
module attributes {stable_mosaic.version = 14 : i64} {
  func.func @_edge_agg_body(%arg0: i32, %arg1: i32, %arg2: memref<10000x128xf32, #tpu.memory_space<hbm>>, %arg3: memref<2x32x40x125xi32, #tpu.memory_space<hbm>>, %arg4: memref<20480x128xf32, #tpu.memory_space<hbm>>, %arg5: memref<40x125xi32, #tpu.memory_space<vmem>>, %arg6: memref<40x125xi32, #tpu.memory_space<vmem>>, %arg7: memref<125x128xf32, #tpu.memory_space<vmem>>, %arg8: memref<125x128xf32, #tpu.memory_space<vmem>>, %arg9: memref<16x128xf32, #tpu.memory_space<vmem>>, %arg10: memref<10240x128xf32, #tpu.memory_space<vmem_shared>>, %arg11: memref<!tpu.dma_semaphore, #tpu.memory_space<semaphore_mem>>, %arg12: memref<!tpu.dma_semaphore, #tpu.memory_space<semaphore_mem>>) attributes {dimension_semantics = [#tpu.dimension_semantics<core_parallel>, #tpu.dimension_semantics<subcore_parallel>], iteration_bounds = array<i64: 2, 16>, scalar_prefetch = 0 : i64, scratch_operands = 8 : i64, tpu.core_type = #tpu.core_type<sc_vector_subcore>, window_params = [{transform_indices = #map}, {transform_indices = #map1}, {transform_indices = #map}]} {
    %mul3A = arith.constant 16 : i32
    %mul3A_0 = arith.muli %arg0, %mul3A : i32
    %add3A = arith.addi %mul3A_0, %arg1 : i32
    %run_scoped3A = arith.constant 0 : i32
    "tpu.region"() ({
      %run_scoped3A_41 = tpu.sem_alloc : memref<!tpu.dma_semaphore, #tpu.memory_space<semaphore_mem>>
      %dma_start3A_42 = arith.constant 0 : i32
      %dma_start3A_43 = arith.constant 0 : i32
      %dma_start3A_44 = tpu.memref_slice %arg3[%run_scoped3A, %add3A, %dma_start3A_42, %dma_start3A_43] : memref<2x32x40x125xi32, #tpu.memory_space<hbm>> -> memref<1x1x40x125xi32, #tpu.memory_space<hbm>>
      %dma_start3A_45 = tpu.memref_squeeze %dma_start3A_44 : memref<1x1x40x125xi32, #tpu.memory_space<hbm>> -> memref<40x125xi32, #tpu.memory_space<hbm>>
      %dma_start3A_46 = arith.constant 0 : i32
      %dma_start3A_47 = arith.constant 0 : i32
      %dma_start3A_48 = tpu.memref_slice %arg3[%run_scoped3A, %add3A, %dma_start3A_46, %dma_start3A_47] : memref<2x32x40x125xi32, #tpu.memory_space<hbm>> -> memref<1x1x40x125xi32, #tpu.memory_space<hbm>>
      %dma_start3A_49 = tpu.memref_squeeze %dma_start3A_48 : memref<1x1x40x125xi32, #tpu.memory_space<hbm>> -> memref<40x125xi32, #tpu.memory_space<hbm>>
      tpu.enqueue_dma source(%dma_start3A_49 : memref<40x125xi32, #tpu.memory_space<hbm>>) target(%arg5 : memref<40x125xi32, #tpu.memory_space<vmem>>) target_semaphore(%run_scoped3A_41 : memref<!tpu.dma_semaphore, #tpu.memory_space<semaphore_mem>>)
      %dma_wait3A = arith.constant 0 : i32
      %dma_wait3A_50 = arith.constant 0 : i32
      %dma_wait3A_51 = tpu.memref_slice %arg3[%run_scoped3A, %add3A, %dma_wait3A, %dma_wait3A_50] : memref<2x32x40x125xi32, #tpu.memory_space<hbm>> -> memref<1x1x40x125xi32, #tpu.memory_space<hbm>>
      %dma_wait3A_52 = tpu.memref_squeeze %dma_wait3A_51 : memref<1x1x40x125xi32, #tpu.memory_space<hbm>> -> memref<40x125xi32, #tpu.memory_space<hbm>>
      %dma_wait3A_53 = arith.constant 0 : i32
      %dma_wait3A_54 = arith.constant 0 : i32
      %dma_wait3A_55 = tpu.memref_slice %arg3[%run_scoped3A, %add3A, %dma_wait3A_53, %dma_wait3A_54] : memref<2x32x40x125xi32, #tpu.memory_space<hbm>> -> memref<1x1x40x125xi32, #tpu.memory_space<hbm>>
      %dma_wait3A_56 = tpu.memref_squeeze %dma_wait3A_55 : memref<1x1x40x125xi32, #tpu.memory_space<hbm>> -> memref<40x125xi32, #tpu.memory_space<hbm>>
      tpu.wait_dma2 semaphore(%run_scoped3A_41 : memref<!tpu.dma_semaphore, #tpu.memory_space<semaphore_mem>>) src(%dma_wait3A_56 : memref<40x125xi32, #tpu.memory_space<hbm>>) dst(%arg5 : memref<40x125xi32, #tpu.memory_space<vmem>>)
      tpu.yield
    }) : () -> ()
    %dma_start3A = arith.constant 0 : i32
    %dma_start3A_1 = arith.constant 0 : i32
    %dma_start3A_2 = tpu.memref_slice %arg5[%dma_start3A, %dma_start3A_1] : memref<40x125xi32, #tpu.memory_space<vmem>> -> memref<1x125xi32, #tpu.memory_space<vmem>>
    %dma_start3A_3 = tpu.memref_squeeze %dma_start3A_2 : memref<1x125xi32, #tpu.memory_space<vmem>> -> memref<125xi32, #tpu.memory_space<vmem>>
    %dma_start3A_4 = arith.constant 0 : i32
    %dma_start3A_5 = arith.constant 0 : i32
    %dma_start3A_6 = tpu.memref_slice %arg2[%dma_start3A_4, %dma_start3A_5] : memref<10000x128xf32, #tpu.memory_space<hbm>> -> memref<10000x128xf32, #tpu.memory_space<hbm>>
    tpu.enqueue_indirect_dma source(%dma_start3A_6 : memref<10000x128xf32, #tpu.memory_space<hbm>>) target(%arg7 : memref<125x128xf32, #tpu.memory_space<vmem>>) offsets(%dma_start3A_3 : memref<125xi32, #tpu.memory_space<vmem>>) semaphore(%arg11 : memref<!tpu.dma_semaphore, #tpu.memory_space<semaphore_mem>>)
    %dma_start3A_7 = arith.constant 1 : i32
    %dma_start3A_8 = arith.constant 0 : i32
    %dma_start3A_9 = tpu.memref_slice %arg5[%dma_start3A_7, %dma_start3A_8] : memref<40x125xi32, #tpu.memory_space<vmem>> -> memref<1x125xi32, #tpu.memory_space<vmem>>
    %dma_start3A_10 = tpu.memref_squeeze %dma_start3A_9 : memref<1x125xi32, #tpu.memory_space<vmem>> -> memref<125xi32, #tpu.memory_space<vmem>>
    %dma_start3A_11 = arith.constant 0 : i32
    %dma_start3A_12 = arith.constant 0 : i32
    %dma_start3A_13 = tpu.memref_slice %arg2[%dma_start3A_11, %dma_start3A_12] : memref<10000x128xf32, #tpu.memory_space<hbm>> -> memref<10000x128xf32, #tpu.memory_space<hbm>>
    tpu.enqueue_indirect_dma source(%dma_start3A_13 : memref<10000x128xf32, #tpu.memory_space<hbm>>) target(%arg8 : memref<125x128xf32, #tpu.memory_space<vmem>>) offsets(%dma_start3A_10 : memref<125xi32, #tpu.memory_space<vmem>>) semaphore(%arg12 : memref<!tpu.dma_semaphore, #tpu.memory_space<semaphore_mem>>)
    %run_scoped3A_14 = arith.constant 1 : i32
    "tpu.region"() ({
      %run_scoped3A_41 = tpu.sem_alloc : memref<!tpu.dma_semaphore, #tpu.memory_space<semaphore_mem>>
      %dma_start3A_42 = arith.constant 0 : i32
      %dma_start3A_43 = arith.constant 0 : i32
      %dma_start3A_44 = tpu.memref_slice %arg3[%run_scoped3A_14, %add3A, %dma_start3A_42, %dma_start3A_43] : memref<2x32x40x125xi32, #tpu.memory_space<hbm>> -> memref<1x1x40x125xi32, #tpu.memory_space<hbm>>
      %dma_start3A_45 = tpu.memref_squeeze %dma_start3A_44 : memref<1x1x40x125xi32, #tpu.memory_space<hbm>> -> memref<40x125xi32, #tpu.memory_space<hbm>>
      %dma_start3A_46 = arith.constant 0 : i32
      %dma_start3A_47 = arith.constant 0 : i32
      %dma_start3A_48 = tpu.memref_slice %arg3[%run_scoped3A_14, %add3A, %dma_start3A_46, %dma_start3A_47] : memref<2x32x40x125xi32, #tpu.memory_space<hbm>> -> memref<1x1x40x125xi32, #tpu.memory_space<hbm>>
      %dma_start3A_49 = tpu.memref_squeeze %dma_start3A_48 : memref<1x1x40x125xi32, #tpu.memory_space<hbm>> -> memref<40x125xi32, #tpu.memory_space<hbm>>
      tpu.enqueue_dma source(%dma_start3A_49 : memref<40x125xi32, #tpu.memory_space<hbm>>) target(%arg6 : memref<40x125xi32, #tpu.memory_space<vmem>>) target_semaphore(%run_scoped3A_41 : memref<!tpu.dma_semaphore, #tpu.memory_space<semaphore_mem>>)
      %dma_wait3A = arith.constant 0 : i32
      %dma_wait3A_50 = arith.constant 0 : i32
      %dma_wait3A_51 = tpu.memref_slice %arg3[%run_scoped3A_14, %add3A, %dma_wait3A, %dma_wait3A_50] : memref<2x32x40x125xi32, #tpu.memory_space<hbm>> -> memref<1x1x40x125xi32, #tpu.memory_space<hbm>>
      %dma_wait3A_52 = tpu.memref_squeeze %dma_wait3A_51 : memref<1x1x40x125xi32, #tpu.memory_space<hbm>> -> memref<40x125xi32, #tpu.memory_space<hbm>>
      %dma_wait3A_53 = arith.constant 0 : i32
      %dma_wait3A_54 = arith.constant 0 : i32
      %dma_wait3A_55 = tpu.memref_slice %arg3[%run_scoped3A_14, %add3A, %dma_wait3A_53, %dma_wait3A_54] : memref<2x32x40x125xi32, #tpu.memory_space<hbm>> -> memref<1x1x40x125xi32, #tpu.memory_space<hbm>>
      %dma_wait3A_56 = tpu.memref_squeeze %dma_wait3A_55 : memref<1x1x40x125xi32, #tpu.memory_space<hbm>> -> memref<40x125xi32, #tpu.memory_space<hbm>>
      tpu.wait_dma2 semaphore(%run_scoped3A_41 : memref<!tpu.dma_semaphore, #tpu.memory_space<semaphore_mem>>) src(%dma_wait3A_56 : memref<40x125xi32, #tpu.memory_space<hbm>>) dst(%arg6 : memref<40x125xi32, #tpu.memory_space<vmem>>)
      tpu.yield
    }) : () -> ()
    %broadcast_in_dim3A = arith.constant 0.000000e+00 : f32
    %broadcast_in_dim3A_15 = vector.broadcast %broadcast_in_dim3A : f32 to vector<16xf32>
    %scan3A = arith.constant 0 : i32
    %scan3A_16 = arith.constant 0 : i32
    %scan3A_17 = arith.constant 128 : i32
    %scan3A_18 = arith.addi %scan3A_16, %scan3A_17 : i32
    %scan3A_19 = arith.constant 1 : i32
    scf.for %scan3A_41 = %scan3A_16 to %scan3A_18 step %scan3A_19  : i32 {
      %jit3A = arith.constant 8 : i32
      %div3A = arith.divsi %scan3A_41, %jit3A : i32
      %sign3A = arith.constant 0 : i32
      %sign3A_42 = arith.cmpi sgt, %scan3A_41, %sign3A : i32
      %sign3A_43 = arith.extui %sign3A_42 : i1 to i32
      %sign3A_44 = arith.constant 0 : i32
      %sign3A_45 = arith.cmpi slt, %scan3A_41, %sign3A_44 : i32
      %sign3A_46 = arith.extui %sign3A_45 : i1 to i32
      %sign3A_47 = arith.subi %sign3A_43, %sign3A_46 : i32
      %sign3A_48 = arith.constant 0 : i32
      %sign3A_49 = arith.cmpi sgt, %jit3A, %sign3A_48 : i32
      %sign3A_50 = arith.extui %sign3A_49 : i1 to i32
      %sign3A_51 = arith.constant 0 : i32
      %sign3A_52 = arith.cmpi slt, %jit3A, %sign3A_51 : i32
      %sign3A_53 = arith.extui %sign3A_52 : i1 to i32
      %sign3A_54 = arith.subi %sign3A_50, %sign3A_53 : i32
      %ne3A = arith.cmpi ne, %sign3A_47, %sign3A_54 : i32
      %rem3A = arith.remsi %scan3A_41, %jit3A : i32
      %ne3A_55 = arith.constant 0 : i32
      %ne3A_56 = arith.cmpi ne, %rem3A, %ne3A_55 : i32
      %and3A = arith.andi %ne3A, %ne3A_56 : i1
      %sub3A = arith.constant 1 : i32
      %sub3A_57 = arith.subi %div3A, %sub3A : i32
      %select_n3A = arith.select %and3A, %sub3A_57, %div3A : i32
      %jit3A_58 = arith.constant 8 : i32
      %eq3A = arith.constant 0 : i32
      %eq3A_59 = arith.cmpi eq, %jit3A_58, %eq3A : i32
      %jit3A_60 = arith.constant 1 : i32
      %select_n3A_61 = arith.select %eq3A_59, %jit3A_60, %jit3A_58 : i32
      %rem3A_62 = arith.remsi %scan3A_41, %select_n3A_61 : i32
      %ne3A_63 = arith.constant 0 : i32
      %ne3A_64 = arith.cmpi ne, %rem3A_62, %ne3A_63 : i32
      %lt3A = arith.constant 0 : i32
      %lt3A_65 = arith.cmpi slt, %rem3A_62, %lt3A : i32
      %lt3A_66 = arith.constant 0 : i32
      %lt3A_67 = arith.cmpi slt, %select_n3A_61, %lt3A_66 : i32
      %ne3A_68 = arith.xori %lt3A_65, %lt3A_67 : i1
      %and3A_69 = arith.andi %ne3A_68, %ne3A_64 : i1
      %add3A_70 = arith.addi %rem3A_62, %select_n3A_61 : i32
      %select_n3A_71 = arith.select %and3A_69, %add3A_70, %rem3A_62 : i32
      %mul3A_72 = arith.constant 16 : i32
      %mul3A_73 = arith.muli %select_n3A_71, %mul3A_72 : i32
      %swap3A = arith.index_cast %select_n3A : i32 to index
      %swap3A_74 = arith.index_cast %mul3A_73 : i32 to index
      %swap3A_75 = tpu.vector_load %arg9[%swap3A, %swap3A_74] {strides = array<i32>} : memref<16x128xf32, #tpu.memory_space<vmem>>, vector<1x16xf32>,
      %swap3A_76 = vector.shape_cast %swap3A_75 : vector<1x16xf32> to vector<16xf32>
      %swap3A_77 = vector.shape_cast %broadcast_in_dim3A_15 : vector<16xf32> to vector<1x16xf32>
      tpu.vector_store %arg9[%swap3A, %swap3A_74], %swap3A_77 {strides = array<i32>} : memref<16x128xf32, #tpu.memory_space<vmem>>, vector<1x16xf32>,
    }
    %scan3A_20 = arith.constant 128 : i32
    %scan3A_21 = arith.constant 0 : i32
    %scan3A_22 = arith.constant 0 : i32
    %scan3A_23 = arith.constant 40 : i32
    %scan3A_24 = arith.addi %scan3A_22, %scan3A_23 : i32
    %scan3A_25 = arith.constant 1 : i32
    scf.for %scan3A_41 = %scan3A_22 to %scan3A_24 step %scan3A_25  : i32 {
      %mul3A_42 = arith.constant 640 : i32
      %mul3A_43 = arith.muli %arg1, %mul3A_42 : i32
      %mul3A_44 = arith.constant 16 : i32
      %mul3A_45 = arith.muli %scan3A_41, %mul3A_44 : i32
      %add3A_46 = arith.addi %mul3A_43, %mul3A_45 : i32
      "tpu.region"() ({
        %run_scoped3A_47 = tpu.sem_alloc : memref<!tpu.dma_semaphore, #tpu.memory_space<semaphore_mem>>
        %dma_start3A_48 = arith.constant 0 : i32
        %dma_start3A_49 = tpu.memref_slice %arg10[%add3A_46, %dma_start3A_48] : memref<10240x128xf32, #tpu.memory_space<vmem_shared>> -> memref<16x128xf32, #tpu.memory_space<vmem_shared>>
        %dma_start3A_50 = arith.constant 0 : i32
        %dma_start3A_51 = tpu.memref_slice %arg10[%add3A_46, %dma_start3A_50] : memref<10240x128xf32, #tpu.memory_space<vmem_shared>> -> memref<16x128xf32, #tpu.memory_space<vmem_shared>>
        tpu.enqueue_dma source(%arg9 : memref<16x128xf32, #tpu.memory_space<vmem>>) target(%dma_start3A_51 : memref<16x128xf32, #tpu.memory_space<vmem_shared>>) target_semaphore(%run_scoped3A_47 : memref<!tpu.dma_semaphore, #tpu.memory_space<semaphore_mem>>)
        %dma_wait3A = arith.constant 0 : i32
        %dma_wait3A_52 = tpu.memref_slice %arg10[%add3A_46, %dma_wait3A] : memref<10240x128xf32, #tpu.memory_space<vmem_shared>> -> memref<16x128xf32, #tpu.memory_space<vmem_shared>>
        %dma_wait3A_53 = arith.constant 0 : i32
        %dma_wait3A_54 = tpu.memref_slice %arg10[%add3A_46, %dma_wait3A_53] : memref<10240x128xf32, #tpu.memory_space<vmem_shared>> -> memref<16x128xf32, #tpu.memory_space<vmem_shared>>
        tpu.wait_dma2 semaphore(%run_scoped3A_47 : memref<!tpu.dma_semaphore, #tpu.memory_space<semaphore_mem>>) src(%arg9 : memref<16x128xf32, #tpu.memory_space<vmem>>) dst(%dma_wait3A_54 : memref<16x128xf32, #tpu.memory_space<vmem_shared>>)
        tpu.yield
      }) : () -> ()
    }
    %scan3A_26 = arith.constant 40 : i32
    %barrier3A = arith.constant 0 : index
    tpu.barrier barrier_id(%barrier3A)
    %scan3A_27 = arith.constant 0 : i32
    %scan3A_28 = arith.constant 0 : i32
    %scan3A_29 = arith.constant 20 : i32
    %scan3A_30 = arith.addi %scan3A_28, %scan3A_29 : i32
    %scan3A_31 = arith.constant 1 : i32
    scf.for %scan3A_41 = %scan3A_28 to %scan3A_30 step %scan3A_31  : i32 {
      %mul3A_42 = arith.constant 2 : i32
      %mul3A_43 = arith.muli %mul3A_42, %scan3A_41 : i32
      %dma_wait3A = arith.constant 0 : i32
      %dma_wait3A_44 = tpu.memref_slice %arg5[%mul3A_43, %dma_wait3A] : memref<40x125xi32, #tpu.memory_space<vmem>> -> memref<1x125xi32, #tpu.memory_space<vmem>>
      %dma_wait3A_45 = tpu.memref_squeeze %dma_wait3A_44 : memref<1x125xi32, #tpu.memory_space<vmem>> -> memref<125xi32, #tpu.memory_space<vmem>>
      %dma_wait3A_46 = arith.constant 0 : i32
      %dma_wait3A_47 = arith.constant 0 : i32
      %dma_wait3A_48 = tpu.memref_slice %arg2[%dma_wait3A_46, %dma_wait3A_47] : memref<10000x128xf32, #tpu.memory_space<hbm>> -> memref<10000x128xf32, #tpu.memory_space<hbm>>
      tpu.wait_indirect_dma semaphore(%arg11 : memref<!tpu.dma_semaphore, #tpu.memory_space<semaphore_mem>>) src(%dma_wait3A_48 : memref<10000x128xf32, #tpu.memory_space<hbm>>) dst(%arg7 : memref<125x128xf32, #tpu.memory_space<vmem>>)
      "tpu.region"() ({
        %run_scoped3A_66 = tpu.sem_alloc : memref<!tpu.dma_semaphore, #tpu.memory_space<semaphore_mem>>
        %dma_start3A_67 = arith.constant 0 : i32
        %dma_start3A_68 = tpu.memref_slice %arg6[%mul3A_43, %dma_start3A_67] : memref<40x125xi32, #tpu.memory_space<vmem>> -> memref<1x125xi32, #tpu.memory_space<vmem>>
        %dma_start3A_69 = tpu.memref_squeeze %dma_start3A_68 : memref<1x125xi32, #tpu.memory_space<vmem>> -> memref<125xi32, #tpu.memory_space<vmem>>
        %dma_start3A_70 = arith.constant 0 : i32
        %dma_start3A_71 = arith.constant 0 : i32
        %dma_start3A_72 = tpu.memref_slice %arg10[%dma_start3A_70, %dma_start3A_71] : memref<10240x128xf32, #tpu.memory_space<vmem_shared>> -> memref<10240x128xf32, #tpu.memory_space<vmem_shared>>
        tpu.enqueue_indirect_dma source(%arg7 : memref<125x128xf32, #tpu.memory_space<vmem>>) target(%dma_start3A_72 : memref<10240x128xf32, #tpu.memory_space<vmem_shared>>) offsets(%dma_start3A_69 : memref<125xi32, #tpu.memory_space<vmem>>) semaphore(%run_scoped3A_66 : memref<!tpu.dma_semaphore, #tpu.memory_space<semaphore_mem>>) {add = true}
        %dma_wait3A_73 = arith.constant 0 : i32
        %dma_wait3A_74 = tpu.memref_slice %arg6[%mul3A_43, %dma_wait3A_73] : memref<40x125xi32, #tpu.memory_space<vmem>> -> memref<1x125xi32, #tpu.memory_space<vmem>>
        %dma_wait3A_75 = tpu.memref_squeeze %dma_wait3A_74 : memref<1x125xi32, #tpu.memory_space<vmem>> -> memref<125xi32, #tpu.memory_space<vmem>>
        %dma_wait3A_76 = arith.constant 0 : i32
        %dma_wait3A_77 = arith.constant 0 : i32
        %dma_wait3A_78 = tpu.memref_slice %arg10[%dma_wait3A_76, %dma_wait3A_77] : memref<10240x128xf32, #tpu.memory_space<vmem_shared>> -> memref<10240x128xf32, #tpu.memory_space<vmem_shared>>
        tpu.wait_indirect_dma semaphore(%run_scoped3A_66 : memref<!tpu.dma_semaphore, #tpu.memory_space<semaphore_mem>>) src(%arg7 : memref<125x128xf32, #tpu.memory_space<vmem>>) dst(%dma_wait3A_78 : memref<10240x128xf32, #tpu.memory_space<vmem_shared>>)
        tpu.yield
      }) : () -> ()
      %lt3A = arith.constant 19 : i32
      %lt3A_49 = arith.cmpi slt, %scan3A_41, %lt3A : i32
      %convert_element_type3A = arith.extui %lt3A_49 : i1 to i32
      %cond3A = arith.constant 0 : i32
      %cond3A_50 = arith.cmpi ne, %convert_element_type3A, %cond3A : i32
      scf.if %cond3A_50 {
        %add3A_66 = arith.constant 2 : i32
        %add3A_67 = arith.addi %mul3A_43, %add3A_66 : i32
        %dma_start3A_68 = arith.constant 0 : i32
        %dma_start3A_69 = tpu.memref_slice %arg5[%add3A_67, %dma_start3A_68] : memref<40x125xi32, #tpu.memory_space<vmem>> -> memref<1x125xi32, #tpu.memory_space<vmem>>
        %dma_start3A_70 = tpu.memref_squeeze %dma_start3A_69 : memref<1x125xi32, #tpu.memory_space<vmem>> -> memref<125xi32, #tpu.memory_space<vmem>>
        %dma_start3A_71 = arith.constant 0 : i32
        %dma_start3A_72 = arith.constant 0 : i32
        %dma_start3A_73 = tpu.memref_slice %arg2[%dma_start3A_71, %dma_start3A_72] : memref<10000x128xf32, #tpu.memory_space<hbm>> -> memref<10000x128xf32, #tpu.memory_space<hbm>>
        tpu.enqueue_indirect_dma source(%dma_start3A_73 : memref<10000x128xf32, #tpu.memory_space<hbm>>) target(%arg7 : memref<125x128xf32, #tpu.memory_space<vmem>>) offsets(%dma_start3A_70 : memref<125xi32, #tpu.memory_space<vmem>>) semaphore(%arg11 : memref<!tpu.dma_semaphore, #tpu.memory_space<semaphore_mem>>)
      } else {
      }
      %add3A_51 = arith.constant 1 : i32
      %add3A_52 = arith.addi %mul3A_43, %add3A_51 : i32
      %dma_wait3A_53 = arith.constant 0 : i32
      %dma_wait3A_54 = tpu.memref_slice %arg5[%add3A_52, %dma_wait3A_53] : memref<40x125xi32, #tpu.memory_space<vmem>> -> memref<1x125xi32, #tpu.memory_space<vmem>>
      %dma_wait3A_55 = tpu.memref_squeeze %dma_wait3A_54 : memref<1x125xi32, #tpu.memory_space<vmem>> -> memref<125xi32, #tpu.memory_space<vmem>>
      %dma_wait3A_56 = arith.constant 0 : i32
      %dma_wait3A_57 = arith.constant 0 : i32
      %dma_wait3A_58 = tpu.memref_slice %arg2[%dma_wait3A_56, %dma_wait3A_57] : memref<10000x128xf32, #tpu.memory_space<hbm>> -> memref<10000x128xf32, #tpu.memory_space<hbm>>
      tpu.wait_indirect_dma semaphore(%arg12 : memref<!tpu.dma_semaphore, #tpu.memory_space<semaphore_mem>>) src(%dma_wait3A_58 : memref<10000x128xf32, #tpu.memory_space<hbm>>) dst(%arg8 : memref<125x128xf32, #tpu.memory_space<vmem>>)
      %add3A_59 = arith.constant 1 : i32
      %add3A_60 = arith.addi %mul3A_43, %add3A_59 : i32
      "tpu.region"() ({
        %run_scoped3A_66 = tpu.sem_alloc : memref<!tpu.dma_semaphore, #tpu.memory_space<semaphore_mem>>
        %dma_start3A_67 = arith.constant 0 : i32
        %dma_start3A_68 = tpu.memref_slice %arg6[%add3A_60, %dma_start3A_67] : memref<40x125xi32, #tpu.memory_space<vmem>> -> memref<1x125xi32, #tpu.memory_space<vmem>>
        %dma_start3A_69 = tpu.memref_squeeze %dma_start3A_68 : memref<1x125xi32, #tpu.memory_space<vmem>> -> memref<125xi32, #tpu.memory_space<vmem>>
        %dma_start3A_70 = arith.constant 0 : i32
        %dma_start3A_71 = arith.constant 0 : i32
        %dma_start3A_72 = tpu.memref_slice %arg10[%dma_start3A_70, %dma_start3A_71] : memref<10240x128xf32, #tpu.memory_space<vmem_shared>> -> memref<10240x128xf32, #tpu.memory_space<vmem_shared>>
        tpu.enqueue_indirect_dma source(%arg8 : memref<125x128xf32, #tpu.memory_space<vmem>>) target(%dma_start3A_72 : memref<10240x128xf32, #tpu.memory_space<vmem_shared>>) offsets(%dma_start3A_69 : memref<125xi32, #tpu.memory_space<vmem>>) semaphore(%run_scoped3A_66 : memref<!tpu.dma_semaphore, #tpu.memory_space<semaphore_mem>>) {add = true}
        %dma_wait3A_73 = arith.constant 0 : i32
        %dma_wait3A_74 = tpu.memref_slice %arg6[%add3A_60, %dma_wait3A_73] : memref<40x125xi32, #tpu.memory_space<vmem>> -> memref<1x125xi32, #tpu.memory_space<vmem>>
        %dma_wait3A_75 = tpu.memref_squeeze %dma_wait3A_74 : memref<1x125xi32, #tpu.memory_space<vmem>> -> memref<125xi32, #tpu.memory_space<vmem>>
        %dma_wait3A_76 = arith.constant 0 : i32
        %dma_wait3A_77 = arith.constant 0 : i32
        %dma_wait3A_78 = tpu.memref_slice %arg10[%dma_wait3A_76, %dma_wait3A_77] : memref<10240x128xf32, #tpu.memory_space<vmem_shared>> -> memref<10240x128xf32, #tpu.memory_space<vmem_shared>>
        tpu.wait_indirect_dma semaphore(%run_scoped3A_66 : memref<!tpu.dma_semaphore, #tpu.memory_space<semaphore_mem>>) src(%arg8 : memref<125x128xf32, #tpu.memory_space<vmem>>) dst(%dma_wait3A_78 : memref<10240x128xf32, #tpu.memory_space<vmem_shared>>)
        tpu.yield
      }) : () -> ()
      %lt3A_61 = arith.constant 19 : i32
      %lt3A_62 = arith.cmpi slt, %scan3A_41, %lt3A_61 : i32
      %convert_element_type3A_63 = arith.extui %lt3A_62 : i1 to i32
      %cond3A_64 = arith.constant 0 : i32
      %cond3A_65 = arith.cmpi ne, %convert_element_type3A_63, %cond3A_64 : i32
      scf.if %cond3A_65 {
        %add3A_66 = arith.constant 3 : i32
        %add3A_67 = arith.addi %mul3A_43, %add3A_66 : i32
        %dma_start3A_68 = arith.constant 0 : i32
        %dma_start3A_69 = tpu.memref_slice %arg5[%add3A_67, %dma_start3A_68] : memref<40x125xi32, #tpu.memory_space<vmem>> -> memref<1x125xi32, #tpu.memory_space<vmem>>
        %dma_start3A_70 = tpu.memref_squeeze %dma_start3A_69 : memref<1x125xi32, #tpu.memory_space<vmem>> -> memref<125xi32, #tpu.memory_space<vmem>>
        %dma_start3A_71 = arith.constant 0 : i32
        %dma_start3A_72 = arith.constant 0 : i32
        %dma_start3A_73 = tpu.memref_slice %arg2[%dma_start3A_71, %dma_start3A_72] : memref<10000x128xf32, #tpu.memory_space<hbm>> -> memref<10000x128xf32, #tpu.memory_space<hbm>>
        tpu.enqueue_indirect_dma source(%dma_start3A_73 : memref<10000x128xf32, #tpu.memory_space<hbm>>) target(%arg8 : memref<125x128xf32, #tpu.memory_space<vmem>>) offsets(%dma_start3A_70 : memref<125xi32, #tpu.memory_space<vmem>>) semaphore(%arg12 : memref<!tpu.dma_semaphore, #tpu.memory_space<semaphore_mem>>)
      } else {
      }
    }
    %scan3A_32 = arith.constant 20 : i32
    %barrier3A_33 = arith.constant 0 : index
    tpu.barrier barrier_id(%barrier3A_33)
    %mul3A_34 = arith.constant 640 : i32
    %mul3A_35 = arith.muli %arg1, %mul3A_34 : i32
    %mul3A_36 = arith.constant 10240 : i32
    %mul3A_37 = arith.muli %arg0, %mul3A_36 : i32
    %mul3A_38 = arith.constant 640 : i32
    %mul3A_39 = arith.muli %arg1, %mul3A_38 : i32
    %add3A_40 = arith.addi %mul3A_37, %mul3A_39 : i32
    "tpu.region"() ({
      %run_scoped3A_41 = tpu.sem_alloc : memref<!tpu.dma_semaphore, #tpu.memory_space<semaphore_mem>>
      %dma_start3A_42 = arith.constant 0 : i32
      %dma_start3A_43 = tpu.memref_slice %arg4[%add3A_40, %dma_start3A_42] : memref<20480x128xf32, #tpu.memory_space<hbm>> -> memref<640x128xf32, #tpu.memory_space<hbm>>
      %dma_start3A_44 = arith.constant 0 : i32
      %dma_start3A_45 = tpu.memref_slice %arg10[%mul3A_35, %dma_start3A_44] : memref<10240x128xf32, #tpu.memory_space<vmem_shared>> -> memref<640x128xf32, #tpu.memory_space<vmem_shared>>
      tpu.enqueue_dma source(%dma_start3A_45 : memref<640x128xf32, #tpu.memory_space<vmem_shared>>) target(%dma_start3A_43 : memref<640x128xf32, #tpu.memory_space<hbm>>) target_semaphore(%run_scoped3A_41 : memref<!tpu.dma_semaphore, #tpu.memory_space<semaphore_mem>>)
      %dma_wait3A = arith.constant 0 : i32
      %dma_wait3A_46 = tpu.memref_slice %arg4[%add3A_40, %dma_wait3A] : memref<20480x128xf32, #tpu.memory_space<hbm>> -> memref<640x128xf32, #tpu.memory_space<hbm>>
      %dma_wait3A_47 = arith.constant 0 : i32
      %dma_wait3A_48 = tpu.memref_slice %arg10[%mul3A_35, %dma_wait3A_47] : memref<10240x128xf32, #tpu.memory_space<vmem_shared>> -> memref<640x128xf32, #tpu.memory_space<vmem_shared>>
      tpu.wait_dma2 semaphore(%run_scoped3A_41 : memref<!tpu.dma_semaphore, #tpu.memory_space<semaphore_mem>>) src(%dma_wait3A_48 : memref<640x128xf32, #tpu.memory_space<vmem_shared>>) dst(%dma_wait3A_46 : memref<640x128xf32, #tpu.memory_space<hbm>>)
      tpu.yield
    }) : () -> ()
    return
  }
}

#map = affine_map<(d0, d1) -> (0, 0)>
#map1 = affine_map<(d0, d1) -> (0, 0, 0, 0)>
module attributes {stable_mosaic.version = 14 : i64} {
  func.func @_edge_agg_body(%arg0: i32, %arg1: i32, %arg2: memref<10000x128xf32, #tpu.memory_space<hbm>>, %arg3: memref<2x32x40x125xi32, #tpu.memory_space<hbm>>, %arg4: memref<20480x128xf32, #tpu.memory_space<hbm>>, %arg5: memref<40x125xi32, #tpu.memory_space<vmem>>, %arg6: memref<40x125xi32, #tpu.memory_space<vmem>>, %arg7: memref<125x128xf32, #tpu.memory_space<vmem>>, %arg8: memref<125x128xf32, #tpu.memory_space<vmem>>, %arg9: memref<16x128xf32, #tpu.memory_space<vmem>>, %arg10: memref<10240x128xf32, #tpu.memory_space<vmem_shared>>, %arg11: memref<!tpu.dma_semaphore, #tpu.memory_space<semaphore_mem>>, %arg12: memref<!tpu.dma_semaphore, #tpu.memory_space<semaphore_mem>>) attributes {dimension_semantics = [#tpu.dimension_semantics<core_parallel>, #tpu.dimension_semantics<subcore_parallel>], iteration_bounds = array<i64: 2, 16>, scalar_prefetch = 0 : i64, scratch_operands = 8 : i64, tpu.core_type = #tpu.core_type<sc_vector_subcore>, window_params = [{transform_indices = #map}, {transform_indices = #map1}, {transform_indices = #map}]} {
    %mul3A = arith.constant 16 : i32
    %mul3A_0 = arith.muli %arg0, %mul3A : i32
    %add3A = arith.addi %mul3A_0, %arg1 : i32
    %run_scoped3A = arith.constant 0 : i32
    "tpu.region"() ({
      %run_scoped3A_41 = tpu.sem_alloc : memref<!tpu.dma_semaphore, #tpu.memory_space<semaphore_mem>>
      %dma_start3A_42 = arith.constant 0 : i32
      %dma_start3A_43 = arith.constant 0 : i32
      %dma_start3A_44 = tpu.memref_slice %arg3[%run_scoped3A, %add3A, %dma_start3A_42, %dma_start3A_43] : memref<2x32x40x125xi32, #tpu.memory_space<hbm>> -> memref<1x1x40x125xi32, #tpu.memory_space<hbm>>
      %dma_start3A_45 = tpu.memref_squeeze %dma_start3A_44 : memref<1x1x40x125xi32, #tpu.memory_space<hbm>> -> memref<40x125xi32, #tpu.memory_space<hbm>>
      %dma_start3A_46 = arith.constant 0 : i32
      %dma_start3A_47 = arith.constant 0 : i32
      %dma_start3A_48 = tpu.memref_slice %arg3[%run_scoped3A, %add3A, %dma_start3A_46, %dma_start3A_47] : memref<2x32x40x125xi32, #tpu.memory_space<hbm>> -> memref<1x1x40x125xi32, #tpu.memory_space<hbm>>
      %dma_start3A_49 = tpu.memref_squeeze %dma_start3A_48 : memref<1x1x40x125xi32, #tpu.memory_space<hbm>> -> memref<40x125xi32, #tpu.memory_space<hbm>>
      tpu.enqueue_dma source(%dma_start3A_49 : memref<40x125xi32, #tpu.memory_space<hbm>>) target(%arg5 : memref<40x125xi32, #tpu.memory_space<vmem>>) target_semaphore(%run_scoped3A_41 : memref<!tpu.dma_semaphore, #tpu.memory_space<semaphore_mem>>)
      %dma_wait3A = arith.constant 0 : i32
      %dma_wait3A_50 = arith.constant 0 : i32
      %dma_wait3A_51 = tpu.memref_slice %arg3[%run_scoped3A, %add3A, %dma_wait3A, %dma_wait3A_50] : memref<2x32x40x125xi32, #tpu.memory_space<hbm>> -> memref<1x1x40x125xi32, #tpu.memory_space<hbm>>
      %dma_wait3A_52 = tpu.memref_squeeze %dma_wait3A_51 : memref<1x1x40x125xi32, #tpu.memory_space<hbm>> -> memref<40x125xi32, #tpu.memory_space<hbm>>
      %dma_wait3A_53 = arith.constant 0 : i32
      %dma_wait3A_54 = arith.constant 0 : i32
      %dma_wait3A_55 = tpu.memref_slice %arg3[%run_scoped3A, %add3A, %dma_wait3A_53, %dma_wait3A_54] : memref<2x32x40x125xi32, #tpu.memory_space<hbm>> -> memref<1x1x40x125xi32, #tpu.memory_space<hbm>>
      %dma_wait3A_56 = tpu.memref_squeeze %dma_wait3A_55 : memref<1x1x40x125xi32, #tpu.memory_space<hbm>> -> memref<40x125xi32, #tpu.memory_space<hbm>>
      tpu.wait_dma2 semaphore(%run_scoped3A_41 : memref<!tpu.dma_semaphore, #tpu.memory_space<semaphore_mem>>) src(%dma_wait3A_56 : memref<40x125xi32, #tpu.memory_space<hbm>>) dst(%arg5 : memref<40x125xi32, #tpu.memory_space<vmem>>)
      tpu.yield
    }) : () -> ()
    %dma_start3A = arith.constant 0 : i32
    %dma_start3A_1 = arith.constant 0 : i32
    %dma_start3A_2 = tpu.memref_slice %arg5[%dma_start3A, %dma_start3A_1] : memref<40x125xi32, #tpu.memory_space<vmem>> -> memref<1x125xi32, #tpu.memory_space<vmem>>
    %dma_start3A_3 = tpu.memref_squeeze %dma_start3A_2 : memref<1x125xi32, #tpu.memory_space<vmem>> -> memref<125xi32, #tpu.memory_space<vmem>>
    %dma_start3A_4 = arith.constant 0 : i32
    %dma_start3A_5 = arith.constant 0 : i32
    %dma_start3A_6 = tpu.memref_slice %arg2[%dma_start3A_4, %dma_start3A_5] : memref<10000x128xf32, #tpu.memory_space<hbm>> -> memref<10000x128xf32, #tpu.memory_space<hbm>>
    tpu.enqueue_indirect_dma source(%dma_start3A_6 : memref<10000x128xf32, #tpu.memory_space<hbm>>) target(%arg7 : memref<125x128xf32, #tpu.memory_space<vmem>>) offsets(%dma_start3A_3 : memref<125xi32, #tpu.memory_space<vmem>>) semaphore(%arg11 : memref<!tpu.dma_semaphore, #tpu.memory_space<semaphore_mem>>)
    %dma_start3A_7 = arith.constant 1 : i32
    %dma_start3A_8 = arith.constant 0 : i32
    %dma_start3A_9 = tpu.memref_slice %arg5[%dma_start3A_7, %dma_start3A_8] : memref<40x125xi32, #tpu.memory_space<vmem>> -> memref<1x125xi32, #tpu.memory_space<vmem>>
    %dma_start3A_10 = tpu.memref_squeeze %dma_start3A_9 : memref<1x125xi32, #tpu.memory_space<vmem>> -> memref<125xi32, #tpu.memory_space<vmem>>
    %dma_start3A_11 = arith.constant 0 : i32
    %dma_start3A_12 = arith.constant 0 : i32
    %dma_start3A_13 = tpu.memref_slice %arg2[%dma_start3A_11, %dma_start3A_12] : memref<10000x128xf32, #tpu.memory_space<hbm>> -> memref<10000x128xf32, #tpu.memory_space<hbm>>
    tpu.enqueue_indirect_dma source(%dma_start3A_13 : memref<10000x128xf32, #tpu.memory_space<hbm>>) target(%arg8 : memref<125x128xf32, #tpu.memory_space<vmem>>) offsets(%dma_start3A_10 : memref<125xi32, #tpu.memory_space<vmem>>) semaphore(%arg12 : memref<!tpu.dma_semaphore, #tpu.memory_space<semaphore_mem>>)
    %run_scoped3A_14 = arith.constant 1 : i32
    "tpu.region"() ({
      %run_scoped3A_41 = tpu.sem_alloc : memref<!tpu.dma_semaphore, #tpu.memory_space<semaphore_mem>>
      %dma_start3A_42 = arith.constant 0 : i32
      %dma_start3A_43 = arith.constant 0 : i32
      %dma_start3A_44 = tpu.memref_slice %arg3[%run_scoped3A_14, %add3A, %dma_start3A_42, %dma_start3A_43] : memref<2x32x40x125xi32, #tpu.memory_space<hbm>> -> memref<1x1x40x125xi32, #tpu.memory_space<hbm>>
      %dma_start3A_45 = tpu.memref_squeeze %dma_start3A_44 : memref<1x1x40x125xi32, #tpu.memory_space<hbm>> -> memref<40x125xi32, #tpu.memory_space<hbm>>
      %dma_start3A_46 = arith.constant 0 : i32
      %dma_start3A_47 = arith.constant 0 : i32
      %dma_start3A_48 = tpu.memref_slice %arg3[%run_scoped3A_14, %add3A, %dma_start3A_46, %dma_start3A_47] : memref<2x32x40x125xi32, #tpu.memory_space<hbm>> -> memref<1x1x40x125xi32, #tpu.memory_space<hbm>>
      %dma_start3A_49 = tpu.memref_squeeze %dma_start3A_48 : memref<1x1x40x125xi32, #tpu.memory_space<hbm>> -> memref<40x125xi32, #tpu.memory_space<hbm>>
      tpu.enqueue_dma source(%dma_start3A_49 : memref<40x125xi32, #tpu.memory_space<hbm>>) target(%arg6 : memref<40x125xi32, #tpu.memory_space<vmem>>) target_semaphore(%run_scoped3A_41 : memref<!tpu.dma_semaphore, #tpu.memory_space<semaphore_mem>>)
      %dma_wait3A = arith.constant 0 : i32
      %dma_wait3A_50 = arith.constant 0 : i32
      %dma_wait3A_51 = tpu.memref_slice %arg3[%run_scoped3A_14, %add3A, %dma_wait3A, %dma_wait3A_50] : memref<2x32x40x125xi32, #tpu.memory_space<hbm>> -> memref<1x1x40x125xi32, #tpu.memory_space<hbm>>
      %dma_wait3A_52 = tpu.memref_squeeze %dma_wait3A_51 : memref<1x1x40x125xi32, #tpu.memory_space<hbm>> -> memref<40x125xi32, #tpu.memory_space<hbm>>
      %dma_wait3A_53 = arith.constant 0 : i32
      %dma_wait3A_54 = arith.constant 0 : i32
      %dma_wait3A_55 = tpu.memref_slice %arg3[%run_scoped3A_14, %add3A, %dma_wait3A_53, %dma_wait3A_54] : memref<2x32x40x125xi32, #tpu.memory_space<hbm>> -> memref<1x1x40x125xi32, #tpu.memory_space<hbm>>
      %dma_wait3A_56 = tpu.memref_squeeze %dma_wait3A_55 : memref<1x1x40x125xi32, #tpu.memory_space<hbm>> -> memref<40x125xi32, #tpu.memory_space<hbm>>
      tpu.wait_dma2 semaphore(%run_scoped3A_41 : memref<!tpu.dma_semaphore, #tpu.memory_space<semaphore_mem>>) src(%dma_wait3A_56 : memref<40x125xi32, #tpu.memory_space<hbm>>) dst(%arg6 : memref<40x125xi32, #tpu.memory_space<vmem>>)
      tpu.yield
    }) : () -> ()
    %broadcast_in_dim3A = arith.constant 0.000000e+00 : f32
    %broadcast_in_dim3A_15 = vector.broadcast %broadcast_in_dim3A : f32 to vector<16xf32>
    %scan3A = arith.constant 0 : i32
    %scan3A_16 = arith.constant 0 : i32
    %scan3A_17 = arith.constant 128 : i32
    %scan3A_18 = arith.addi %scan3A_16, %scan3A_17 : i32
    %scan3A_19 = arith.constant 1 : i32
    scf.for %scan3A_41 = %scan3A_16 to %scan3A_18 step %scan3A_19  : i32 {
      %jit3A = arith.constant 8 : i32
      %div3A = arith.divsi %scan3A_41, %jit3A : i32
      %sign3A = arith.constant 0 : i32
      %sign3A_42 = arith.cmpi sgt, %scan3A_41, %sign3A : i32
      %sign3A_43 = arith.extui %sign3A_42 : i1 to i32
      %sign3A_44 = arith.constant 0 : i32
      %sign3A_45 = arith.cmpi slt, %scan3A_41, %sign3A_44 : i32
      %sign3A_46 = arith.extui %sign3A_45 : i1 to i32
      %sign3A_47 = arith.subi %sign3A_43, %sign3A_46 : i32
      %sign3A_48 = arith.constant 0 : i32
      %sign3A_49 = arith.cmpi sgt, %jit3A, %sign3A_48 : i32
      %sign3A_50 = arith.extui %sign3A_49 : i1 to i32
      %sign3A_51 = arith.constant 0 : i32
      %sign3A_52 = arith.cmpi slt, %jit3A, %sign3A_51 : i32
      %sign3A_53 = arith.extui %sign3A_52 : i1 to i32
      %sign3A_54 = arith.subi %sign3A_50, %sign3A_53 : i32
      %ne3A = arith.cmpi ne, %sign3A_47, %sign3A_54 : i32
      %rem3A = arith.remsi %scan3A_41, %jit3A : i32
      %ne3A_55 = arith.constant 0 : i32
      %ne3A_56 = arith.cmpi ne, %rem3A, %ne3A_55 : i32
      %and3A = arith.andi %ne3A, %ne3A_56 : i1
      %sub3A = arith.constant 1 : i32
      %sub3A_57 = arith.subi %div3A, %sub3A : i32
      %select_n3A = arith.select %and3A, %sub3A_57, %div3A : i32
      %jit3A_58 = arith.constant 8 : i32
      %eq3A = arith.constant 0 : i32
      %eq3A_59 = arith.cmpi eq, %jit3A_58, %eq3A : i32
      %jit3A_60 = arith.constant 1 : i32
      %select_n3A_61 = arith.select %eq3A_59, %jit3A_60, %jit3A_58 : i32
      %rem3A_62 = arith.remsi %scan3A_41, %select_n3A_61 : i32
      %ne3A_63 = arith.constant 0 : i32
      %ne3A_64 = arith.cmpi ne, %rem3A_62, %ne3A_63 : i32
      %lt3A = arith.constant 0 : i32
      %lt3A_65 = arith.cmpi slt, %rem3A_62, %lt3A : i32
      %lt3A_66 = arith.constant 0 : i32
      %lt3A_67 = arith.cmpi slt, %select_n3A_61, %lt3A_66 : i32
      %ne3A_68 = arith.xori %lt3A_65, %lt3A_67 : i1
      %and3A_69 = arith.andi %ne3A_68, %ne3A_64 : i1
      %add3A_70 = arith.addi %rem3A_62, %select_n3A_61 : i32
      %select_n3A_71 = arith.select %and3A_69, %add3A_70, %rem3A_62 : i32
      %mul3A_72 = arith.constant 16 : i32
      %mul3A_73 = arith.muli %select_n3A_71, %mul3A_72 : i32
      %swap3A = arith.index_cast %select_n3A : i32 to index
      %swap3A_74 = arith.index_cast %mul3A_73 : i32 to index
      %swap3A_75 = tpu.vector_load %arg9[%swap3A, %swap3A_74] {strides = array<i32>} : memref<16x128xf32, #tpu.memory_space<vmem>>, vector<1x16xf32>,
      %swap3A_76 = vector.shape_cast %swap3A_75 : vector<1x16xf32> to vector<16xf32>
      %swap3A_77 = vector.shape_cast %broadcast_in_dim3A_15 : vector<16xf32> to vector<1x16xf32>
      tpu.vector_store %arg9[%swap3A, %swap3A_74], %swap3A_77 {strides = array<i32>} : memref<16x128xf32, #tpu.memory_space<vmem>>, vector<1x16xf32>,
    }
    %scan3A_20 = arith.constant 128 : i32
    %scan3A_21 = arith.constant 0 : i32
    %scan3A_22 = arith.constant 0 : i32
    %scan3A_23 = arith.constant 40 : i32
    %scan3A_24 = arith.addi %scan3A_22, %scan3A_23 : i32
    %scan3A_25 = arith.constant 1 : i32
    scf.for %scan3A_41 = %scan3A_22 to %scan3A_24 step %scan3A_25  : i32 {
      %mul3A_42 = arith.constant 640 : i32
      %mul3A_43 = arith.muli %arg1, %mul3A_42 : i32
      %mul3A_44 = arith.constant 16 : i32
      %mul3A_45 = arith.muli %scan3A_41, %mul3A_44 : i32
      %add3A_46 = arith.addi %mul3A_43, %mul3A_45 : i32
      "tpu.region"() ({
        %run_scoped3A_47 = tpu.sem_alloc : memref<!tpu.dma_semaphore, #tpu.memory_space<semaphore_mem>>
        %dma_start3A_48 = arith.constant 0 : i32
        %dma_start3A_49 = tpu.memref_slice %arg10[%add3A_46, %dma_start3A_48] : memref<10240x128xf32, #tpu.memory_space<vmem_shared>> -> memref<16x128xf32, #tpu.memory_space<vmem_shared>>
        %dma_start3A_50 = arith.constant 0 : i32
        %dma_start3A_51 = tpu.memref_slice %arg10[%add3A_46, %dma_start3A_50] : memref<10240x128xf32, #tpu.memory_space<vmem_shared>> -> memref<16x128xf32, #tpu.memory_space<vmem_shared>>
        tpu.enqueue_dma source(%arg9 : memref<16x128xf32, #tpu.memory_space<vmem>>) target(%dma_start3A_51 : memref<16x128xf32, #tpu.memory_space<vmem_shared>>) target_semaphore(%run_scoped3A_47 : memref<!tpu.dma_semaphore, #tpu.memory_space<semaphore_mem>>)
        %dma_wait3A = arith.constant 0 : i32
        %dma_wait3A_52 = tpu.memref_slice %arg10[%add3A_46, %dma_wait3A] : memref<10240x128xf32, #tpu.memory_space<vmem_shared>> -> memref<16x128xf32, #tpu.memory_space<vmem_shared>>
        %dma_wait3A_53 = arith.constant 0 : i32
        %dma_wait3A_54 = tpu.memref_slice %arg10[%add3A_46, %dma_wait3A_53] : memref<10240x128xf32, #tpu.memory_space<vmem_shared>> -> memref<16x128xf32, #tpu.memory_space<vmem_shared>>
        tpu.wait_dma2 semaphore(%run_scoped3A_47 : memref<!tpu.dma_semaphore, #tpu.memory_space<semaphore_mem>>) src(%arg9 : memref<16x128xf32, #tpu.memory_space<vmem>>) dst(%dma_wait3A_54 : memref<16x128xf32, #tpu.memory_space<vmem_shared>>)
        tpu.yield
      }) : () -> ()
    }
    %scan3A_26 = arith.constant 40 : i32
    %barrier3A = arith.constant 0 : index
    tpu.barrier barrier_id(%barrier3A)
    %scan3A_27 = arith.constant 0 : i32
    %scan3A_28 = arith.constant 0 : i32
    %scan3A_29 = arith.constant 20 : i32
    %scan3A_30 = arith.addi %scan3A_28, %scan3A_29 : i32
    %scan3A_31 = arith.constant 1 : i32
    scf.for %scan3A_41 = %scan3A_28 to %scan3A_30 step %scan3A_31  : i32 {
      %mul3A_42 = arith.constant 2 : i32
      %mul3A_43 = arith.muli %mul3A_42, %scan3A_41 : i32
      %dma_wait3A = arith.constant 0 : i32
      %dma_wait3A_44 = tpu.memref_slice %arg5[%mul3A_43, %dma_wait3A] : memref<40x125xi32, #tpu.memory_space<vmem>> -> memref<1x125xi32, #tpu.memory_space<vmem>>
      %dma_wait3A_45 = tpu.memref_squeeze %dma_wait3A_44 : memref<1x125xi32, #tpu.memory_space<vmem>> -> memref<125xi32, #tpu.memory_space<vmem>>
      %dma_wait3A_46 = arith.constant 0 : i32
      %dma_wait3A_47 = arith.constant 0 : i32
      %dma_wait3A_48 = tpu.memref_slice %arg2[%dma_wait3A_46, %dma_wait3A_47] : memref<10000x128xf32, #tpu.memory_space<hbm>> -> memref<10000x128xf32, #tpu.memory_space<hbm>>
      tpu.wait_indirect_dma semaphore(%arg11 : memref<!tpu.dma_semaphore, #tpu.memory_space<semaphore_mem>>) src(%dma_wait3A_48 : memref<10000x128xf32, #tpu.memory_space<hbm>>) dst(%arg7 : memref<125x128xf32, #tpu.memory_space<vmem>>)
      "tpu.region"() ({
        %run_scoped3A_66 = tpu.sem_alloc : memref<!tpu.dma_semaphore, #tpu.memory_space<semaphore_mem>>
        %dma_start3A_67 = arith.constant 0 : i32
        %dma_start3A_68 = tpu.memref_slice %arg6[%mul3A_43, %dma_start3A_67] : memref<40x125xi32, #tpu.memory_space<vmem>> -> memref<1x125xi32, #tpu.memory_space<vmem>>
        %dma_start3A_69 = tpu.memref_squeeze %dma_start3A_68 : memref<1x125xi32, #tpu.memory_space<vmem>> -> memref<125xi32, #tpu.memory_space<vmem>>
        %dma_start3A_70 = arith.constant 0 : i32
        %dma_start3A_71 = arith.constant 0 : i32
        %dma_start3A_72 = tpu.memref_slice %arg10[%dma_start3A_70, %dma_start3A_71] : memref<10240x128xf32, #tpu.memory_space<vmem_shared>> -> memref<10240x128xf32, #tpu.memory_space<vmem_shared>>
        tpu.enqueue_indirect_dma source(%arg7 : memref<125x128xf32, #tpu.memory_space<vmem>>) target(%dma_start3A_72 : memref<10240x128xf32, #tpu.memory_space<vmem_shared>>) offsets(%dma_start3A_69 : memref<125xi32, #tpu.memory_space<vmem>>) semaphore(%run_scoped3A_66 : memref<!tpu.dma_semaphore, #tpu.memory_space<semaphore_mem>>) {add = true}
        %dma_wait3A_73 = arith.constant 0 : i32
        %dma_wait3A_74 = tpu.memref_slice %arg6[%mul3A_43, %dma_wait3A_73] : memref<40x125xi32, #tpu.memory_space<vmem>> -> memref<1x125xi32, #tpu.memory_space<vmem>>
        %dma_wait3A_75 = tpu.memref_squeeze %dma_wait3A_74 : memref<1x125xi32, #tpu.memory_space<vmem>> -> memref<125xi32, #tpu.memory_space<vmem>>
        %dma_wait3A_76 = arith.constant 0 : i32
        %dma_wait3A_77 = arith.constant 0 : i32
        %dma_wait3A_78 = tpu.memref_slice %arg10[%dma_wait3A_76, %dma_wait3A_77] : memref<10240x128xf32, #tpu.memory_space<vmem_shared>> -> memref<10240x128xf32, #tpu.memory_space<vmem_shared>>
        tpu.wait_indirect_dma semaphore(%run_scoped3A_66 : memref<!tpu.dma_semaphore, #tpu.memory_space<semaphore_mem>>) src(%arg7 : memref<125x128xf32, #tpu.memory_space<vmem>>) dst(%dma_wait3A_78 : memref<10240x128xf32, #tpu.memory_space<vmem_shared>>)
        tpu.yield
      }) : () -> ()
      %lt3A = arith.constant 19 : i32
      %lt3A_49 = arith.cmpi slt, %scan3A_41, %lt3A : i32
      %convert_element_type3A = arith.extui %lt3A_49 : i1 to i32
      %cond3A = arith.constant 0 : i32
      %cond3A_50 = arith.cmpi ne, %convert_element_type3A, %cond3A : i32
      scf.if %cond3A_50 {
        %add3A_66 = arith.constant 2 : i32
        %add3A_67 = arith.addi %mul3A_43, %add3A_66 : i32
        %dma_start3A_68 = arith.constant 0 : i32
        %dma_start3A_69 = tpu.memref_slice %arg5[%add3A_67, %dma_start3A_68] : memref<40x125xi32, #tpu.memory_space<vmem>> -> memref<1x125xi32, #tpu.memory_space<vmem>>
        %dma_start3A_70 = tpu.memref_squeeze %dma_start3A_69 : memref<1x125xi32, #tpu.memory_space<vmem>> -> memref<125xi32, #tpu.memory_space<vmem>>
        %dma_start3A_71 = arith.constant 0 : i32
        %dma_start3A_72 = arith.constant 0 : i32
        %dma_start3A_73 = tpu.memref_slice %arg2[%dma_start3A_71, %dma_start3A_72] : memref<10000x128xf32, #tpu.memory_space<hbm>> -> memref<10000x128xf32, #tpu.memory_space<hbm>>
        tpu.enqueue_indirect_dma source(%dma_start3A_73 : memref<10000x128xf32, #tpu.memory_space<hbm>>) target(%arg7 : memref<125x128xf32, #tpu.memory_space<vmem>>) offsets(%dma_start3A_70 : memref<125xi32, #tpu.memory_space<vmem>>) semaphore(%arg11 : memref<!tpu.dma_semaphore, #tpu.memory_space<semaphore_mem>>)
      } else {
      }
      %add3A_51 = arith.constant 1 : i32
      %add3A_52 = arith.addi %mul3A_43, %add3A_51 : i32
      %dma_wait3A_53 = arith.constant 0 : i32
      %dma_wait3A_54 = tpu.memref_slice %arg5[%add3A_52, %dma_wait3A_53] : memref<40x125xi32, #tpu.memory_space<vmem>> -> memref<1x125xi32, #tpu.memory_space<vmem>>
      %dma_wait3A_55 = tpu.memref_squeeze %dma_wait3A_54 : memref<1x125xi32, #tpu.memory_space<vmem>> -> memref<125xi32, #tpu.memory_space<vmem>>
      %dma_wait3A_56 = arith.constant 0 : i32
      %dma_wait3A_57 = arith.constant 0 : i32
      %dma_wait3A_58 = tpu.memref_slice %arg2[%dma_wait3A_56, %dma_wait3A_57] : memref<10000x128xf32, #tpu.memory_space<hbm>> -> memref<10000x128xf32, #tpu.memory_space<hbm>>
      tpu.wait_indirect_dma semaphore(%arg12 : memref<!tpu.dma_semaphore, #tpu.memory_space<semaphore_mem>>) src(%dma_wait3A_58 : memref<10000x128xf32, #tpu.memory_space<hbm>>) dst(%arg8 : memref<125x128xf32, #tpu.memory_space<vmem>>)
      %add3A_59 = arith.constant 1 : i32
      %add3A_60 = arith.addi %mul3A_43, %add3A_59 : i32
      "tpu.region"() ({
        %run_scoped3A_66 = tpu.sem_alloc : memref<!tpu.dma_semaphore, #tpu.memory_space<semaphore_mem>>
        %dma_start3A_67 = arith.constant 0 : i32
        %dma_start3A_68 = tpu.memref_slice %arg6[%add3A_60, %dma_start3A_67] : memref<40x125xi32, #tpu.memory_space<vmem>> -> memref<1x125xi32, #tpu.memory_space<vmem>>
        %dma_start3A_69 = tpu.memref_squeeze %dma_start3A_68 : memref<1x125xi32, #tpu.memory_space<vmem>> -> memref<125xi32, #tpu.memory_space<vmem>>
        %dma_start3A_70 = arith.constant 0 : i32
        %dma_start3A_71 = arith.constant 0 : i32
        %dma_start3A_72 = tpu.memref_slice %arg10[%dma_start3A_70, %dma_start3A_71] : memref<10240x128xf32, #tpu.memory_space<vmem_shared>> -> memref<10240x128xf32, #tpu.memory_space<vmem_shared>>
        tpu.enqueue_indirect_dma source(%arg8 : memref<125x128xf32, #tpu.memory_space<vmem>>) target(%dma_start3A_72 : memref<10240x128xf32, #tpu.memory_space<vmem_shared>>) offsets(%dma_start3A_69 : memref<125xi32, #tpu.memory_space<vmem>>) semaphore(%run_scoped3A_66 : memref<!tpu.dma_semaphore, #tpu.memory_space<semaphore_mem>>) {add = true}
        %dma_wait3A_73 = arith.constant 0 : i32
        %dma_wait3A_74 = tpu.memref_slice %arg6[%add3A_60, %dma_wait3A_73] : memref<40x125xi32, #tpu.memory_space<vmem>> -> memref<1x125xi32, #tpu.memory_space<vmem>>
        %dma_wait3A_75 = tpu.memref_squeeze %dma_wait3A_74 : memref<1x125xi32, #tpu.memory_space<vmem>> -> memref<125xi32, #tpu.memory_space<vmem>>
        %dma_wait3A_76 = arith.constant 0 : i32
        %dma_wait3A_77 = arith.constant 0 : i32
        %dma_wait3A_78 = tpu.memref_slice %arg10[%dma_wait3A_76, %dma_wait3A_77] : memref<10240x128xf32, #tpu.memory_space<vmem_shared>> -> memref<10240x128xf32, #tpu.memory_space<vmem_shared>>
        tpu.wait_indirect_dma semaphore(%run_scoped3A_66 : memref<!tpu.dma_semaphore, #tpu.memory_space<semaphore_mem>>) src(%arg8 : memref<125x128xf32, #tpu.memory_space<vmem>>) dst(%dma_wait3A_78 : memref<10240x128xf32, #tpu.memory_space<vmem_shared>>)
        tpu.yield
      }) : () -> ()
      %lt3A_61 = arith.constant 19 : i32
      %lt3A_62 = arith.cmpi slt, %scan3A_41, %lt3A_61 : i32
      %convert_element_type3A_63 = arith.extui %lt3A_62 : i1 to i32
      %cond3A_64 = arith.constant 0 : i32
      %cond3A_65 = arith.cmpi ne, %convert_element_type3A_63, %cond3A_64 : i32
      scf.if %cond3A_65 {
        %add3A_66 = arith.constant 3 : i32
        %add3A_67 = arith.addi %mul3A_43, %add3A_66 : i32
        %dma_start3A_68 = arith.constant 0 : i32
        %dma_start3A_69 = tpu.memref_slice %arg5[%add3A_67, %dma_start3A_68] : memref<40x125xi32, #tpu.memory_space<vmem>> -> memref<1x125xi32, #tpu.memory_space<vmem>>
        %dma_start3A_70 = tpu.memref_squeeze %dma_start3A_69 : memref<1x125xi32, #tpu.memory_space<vmem>> -> memref<125xi32, #tpu.memory_space<vmem>>
        %dma_start3A_71 = arith.constant 0 : i32
        %dma_start3A_72 = arith.constant 0 : i32
        %dma_start3A_73 = tpu.memref_slice %arg2[%dma_start3A_71, %dma_start3A_72] : memref<10000x128xf32, #tpu.memory_space<hbm>> -> memref<10000x128xf32, #tpu.memory_space<hbm>>
        tpu.enqueue_indirect_dma source(%dma_start3A_73 : memref<10000x128xf32, #tpu.memory_space<hbm>>) target(%arg8 : memref<125x128xf32, #tpu.memory_space<vmem>>) offsets(%dma_start3A_70 : memref<125xi32, #tpu.memory_space<vmem>>) semaphore(%arg12 : memref<!tpu.dma_semaphore, #tpu.memory_space<semaphore_mem>>)
      } else {
      }
    }
    %scan3A_32 = arith.constant 20 : i32
    %barrier3A_33 = arith.constant 0 : index
    tpu.barrier barrier_id(%barrier3A_33)
    %mul3A_34 = arith.constant 640 : i32
    %mul3A_35 = arith.muli %arg1, %mul3A_34 : i32
    %mul3A_36 = arith.constant 10240 : i32
    %mul3A_37 = arith.muli %arg0, %mul3A_36 : i32
    %mul3A_38 = arith.constant 640 : i32
    %mul3A_39 = arith.muli %arg1, %mul3A_38 : i32
    %add3A_40 = arith.addi %mul3A_37, %mul3A_39 : i32
    "tpu.region"() ({
      %run_scoped3A_41 = tpu.sem_alloc : memref<!tpu.dma_semaphore, #tpu.memory_space<semaphore_mem>>
      %dma_start3A_42 = arith.constant 0 : i32
      %dma_start3A_43 = tpu.memref_slice %arg4[%add3A_40, %dma_start3A_42] : memref<20480x128xf32, #tpu.memory_space<hbm>> -> memref<640x128xf32, #tpu.memory_space<hbm>>
      %dma_start3A_44 = arith.constant 0 : i32
      %dma_start3A_45 = tpu.memref_slice %arg10[%mul3A_35, %dma_start3A_44] : memref<10240x128xf32, #tpu.memory_space<vmem_shared>> -> memref<640x128xf32, #tpu.memory_space<vmem_shared>>
      tpu.enqueue_dma source(%dma_start3A_45 : memref<640x128xf32, #tpu.memory_space<vmem_shared>>) target(%dma_start3A_43 : memref<640x128xf32, #tpu.memory_space<hbm>>) target_semaphore(%run_scoped3A_41 : memref<!tpu.dma_semaphore, #tpu.memory_space<semaphore_mem>>)
      %dma_wait3A = arith.constant 0 : i32
      %dma_wait3A_46 = tpu.memref_slice %arg4[%add3A_40, %dma_wait3A] : memref<20480x128xf32, #tpu.memory_space<hbm>> -> memref<640x128xf32, #tpu.memory_space<hbm>>
      %dma_wait3A_47 = arith.constant 0 : i32
      %dma_wait3A_48 = tpu.memref_slice %arg10[%mul3A_35, %dma_wait3A_47] : memref<10240x128xf32, #tpu.memory_space<vmem_shared>> -> memref<640x128xf32, #tpu.memory_space<vmem_shared>>
      tpu.wait_dma2 semaphore(%run_scoped3A_41 : memref<!tpu.dma_semaphore, #tpu.memory_space<semaphore_mem>>) src(%dma_wait3A_48 : memref<640x128xf32, #tpu.memory_space<vmem_shared>>) dst(%dma_wait3A_46 : memref<640x128xf32, #tpu.memory_space<hbm>>)
      tpu.yield
    }) : () -> ()
    return
  }
}

#map = affine_map<(d0, d1) -> (0, 0)>
#map1 = affine_map<(d0, d1) -> (0, 0, 0, 0)>
module attributes {stable_mosaic.version = 14 : i64} {
  func.func @_edge_agg_body(%arg0: i32, %arg1: i32, %arg2: memref<10000x128xf32, #tpu.memory_space<hbm>>, %arg3: memref<2x32x40x125xi32, #tpu.memory_space<hbm>>, %arg4: memref<20480x128xf32, #tpu.memory_space<hbm>>, %arg5: memref<40x125xi32, #tpu.memory_space<vmem>>, %arg6: memref<40x125xi32, #tpu.memory_space<vmem>>, %arg7: memref<125x128xf32, #tpu.memory_space<vmem>>, %arg8: memref<125x128xf32, #tpu.memory_space<vmem>>, %arg9: memref<16x128xf32, #tpu.memory_space<vmem>>, %arg10: memref<10240x128xf32, #tpu.memory_space<vmem_shared>>, %arg11: memref<!tpu.dma_semaphore, #tpu.memory_space<semaphore_mem>>, %arg12: memref<!tpu.dma_semaphore, #tpu.memory_space<semaphore_mem>>) attributes {dimension_semantics = [#tpu.dimension_semantics<core_parallel>, #tpu.dimension_semantics<subcore_parallel>], iteration_bounds = array<i64: 2, 16>, scalar_prefetch = 0 : i64, scratch_operands = 8 : i64, tpu.core_type = #tpu.core_type<sc_vector_subcore>, window_params = [{transform_indices = #map}, {transform_indices = #map1}, {transform_indices = #map}]} {
    %mul3A = arith.constant 16 : i32
    %mul3A_0 = arith.muli %arg0, %mul3A : i32
    %add3A = arith.addi %mul3A_0, %arg1 : i32
    %run_scoped3A = arith.constant 0 : i32
    "tpu.region"() ({
      %run_scoped3A_41 = tpu.sem_alloc : memref<!tpu.dma_semaphore, #tpu.memory_space<semaphore_mem>>
      %dma_start3A_42 = arith.constant 0 : i32
      %dma_start3A_43 = arith.constant 0 : i32
      %dma_start3A_44 = tpu.memref_slice %arg3[%run_scoped3A, %add3A, %dma_start3A_42, %dma_start3A_43] : memref<2x32x40x125xi32, #tpu.memory_space<hbm>> -> memref<1x1x40x125xi32, #tpu.memory_space<hbm>>
      %dma_start3A_45 = tpu.memref_squeeze %dma_start3A_44 : memref<1x1x40x125xi32, #tpu.memory_space<hbm>> -> memref<40x125xi32, #tpu.memory_space<hbm>>
      %dma_start3A_46 = arith.constant 0 : i32
      %dma_start3A_47 = arith.constant 0 : i32
      %dma_start3A_48 = tpu.memref_slice %arg3[%run_scoped3A, %add3A, %dma_start3A_46, %dma_start3A_47] : memref<2x32x40x125xi32, #tpu.memory_space<hbm>> -> memref<1x1x40x125xi32, #tpu.memory_space<hbm>>
      %dma_start3A_49 = tpu.memref_squeeze %dma_start3A_48 : memref<1x1x40x125xi32, #tpu.memory_space<hbm>> -> memref<40x125xi32, #tpu.memory_space<hbm>>
      tpu.enqueue_dma source(%dma_start3A_49 : memref<40x125xi32, #tpu.memory_space<hbm>>) target(%arg5 : memref<40x125xi32, #tpu.memory_space<vmem>>) target_semaphore(%run_scoped3A_41 : memref<!tpu.dma_semaphore, #tpu.memory_space<semaphore_mem>>)
      %dma_wait3A = arith.constant 0 : i32
      %dma_wait3A_50 = arith.constant 0 : i32
      %dma_wait3A_51 = tpu.memref_slice %arg3[%run_scoped3A, %add3A, %dma_wait3A, %dma_wait3A_50] : memref<2x32x40x125xi32, #tpu.memory_space<hbm>> -> memref<1x1x40x125xi32, #tpu.memory_space<hbm>>
      %dma_wait3A_52 = tpu.memref_squeeze %dma_wait3A_51 : memref<1x1x40x125xi32, #tpu.memory_space<hbm>> -> memref<40x125xi32, #tpu.memory_space<hbm>>
      %dma_wait3A_53 = arith.constant 0 : i32
      %dma_wait3A_54 = arith.constant 0 : i32
      %dma_wait3A_55 = tpu.memref_slice %arg3[%run_scoped3A, %add3A, %dma_wait3A_53, %dma_wait3A_54] : memref<2x32x40x125xi32, #tpu.memory_space<hbm>> -> memref<1x1x40x125xi32, #tpu.memory_space<hbm>>
      %dma_wait3A_56 = tpu.memref_squeeze %dma_wait3A_55 : memref<1x1x40x125xi32, #tpu.memory_space<hbm>> -> memref<40x125xi32, #tpu.memory_space<hbm>>
      tpu.wait_dma2 semaphore(%run_scoped3A_41 : memref<!tpu.dma_semaphore, #tpu.memory_space<semaphore_mem>>) src(%dma_wait3A_56 : memref<40x125xi32, #tpu.memory_space<hbm>>) dst(%arg5 : memref<40x125xi32, #tpu.memory_space<vmem>>)
      tpu.yield
    }) : () -> ()
    %dma_start3A = arith.constant 0 : i32
    %dma_start3A_1 = arith.constant 0 : i32
    %dma_start3A_2 = tpu.memref_slice %arg5[%dma_start3A, %dma_start3A_1] : memref<40x125xi32, #tpu.memory_space<vmem>> -> memref<1x125xi32, #tpu.memory_space<vmem>>
    %dma_start3A_3 = tpu.memref_squeeze %dma_start3A_2 : memref<1x125xi32, #tpu.memory_space<vmem>> -> memref<125xi32, #tpu.memory_space<vmem>>
    %dma_start3A_4 = arith.constant 0 : i32
    %dma_start3A_5 = arith.constant 0 : i32
    %dma_start3A_6 = tpu.memref_slice %arg2[%dma_start3A_4, %dma_start3A_5] : memref<10000x128xf32, #tpu.memory_space<hbm>> -> memref<10000x128xf32, #tpu.memory_space<hbm>>
    tpu.enqueue_indirect_dma source(%dma_start3A_6 : memref<10000x128xf32, #tpu.memory_space<hbm>>) target(%arg7 : memref<125x128xf32, #tpu.memory_space<vmem>>) offsets(%dma_start3A_3 : memref<125xi32, #tpu.memory_space<vmem>>) semaphore(%arg11 : memref<!tpu.dma_semaphore, #tpu.memory_space<semaphore_mem>>)
    %dma_start3A_7 = arith.constant 1 : i32
    %dma_start3A_8 = arith.constant 0 : i32
    %dma_start3A_9 = tpu.memref_slice %arg5[%dma_start3A_7, %dma_start3A_8] : memref<40x125xi32, #tpu.memory_space<vmem>> -> memref<1x125xi32, #tpu.memory_space<vmem>>
    %dma_start3A_10 = tpu.memref_squeeze %dma_start3A_9 : memref<1x125xi32, #tpu.memory_space<vmem>> -> memref<125xi32, #tpu.memory_space<vmem>>
    %dma_start3A_11 = arith.constant 0 : i32
    %dma_start3A_12 = arith.constant 0 : i32
    %dma_start3A_13 = tpu.memref_slice %arg2[%dma_start3A_11, %dma_start3A_12] : memref<10000x128xf32, #tpu.memory_space<hbm>> -> memref<10000x128xf32, #tpu.memory_space<hbm>>
    tpu.enqueue_indirect_dma source(%dma_start3A_13 : memref<10000x128xf32, #tpu.memory_space<hbm>>) target(%arg8 : memref<125x128xf32, #tpu.memory_space<vmem>>) offsets(%dma_start3A_10 : memref<125xi32, #tpu.memory_space<vmem>>) semaphore(%arg12 : memref<!tpu.dma_semaphore, #tpu.memory_space<semaphore_mem>>)
    %run_scoped3A_14 = arith.constant 1 : i32
    "tpu.region"() ({
      %run_scoped3A_41 = tpu.sem_alloc : memref<!tpu.dma_semaphore, #tpu.memory_space<semaphore_mem>>
      %dma_start3A_42 = arith.constant 0 : i32
      %dma_start3A_43 = arith.constant 0 : i32
      %dma_start3A_44 = tpu.memref_slice %arg3[%run_scoped3A_14, %add3A, %dma_start3A_42, %dma_start3A_43] : memref<2x32x40x125xi32, #tpu.memory_space<hbm>> -> memref<1x1x40x125xi32, #tpu.memory_space<hbm>>
      %dma_start3A_45 = tpu.memref_squeeze %dma_start3A_44 : memref<1x1x40x125xi32, #tpu.memory_space<hbm>> -> memref<40x125xi32, #tpu.memory_space<hbm>>
      %dma_start3A_46 = arith.constant 0 : i32
      %dma_start3A_47 = arith.constant 0 : i32
      %dma_start3A_48 = tpu.memref_slice %arg3[%run_scoped3A_14, %add3A, %dma_start3A_46, %dma_start3A_47] : memref<2x32x40x125xi32, #tpu.memory_space<hbm>> -> memref<1x1x40x125xi32, #tpu.memory_space<hbm>>
      %dma_start3A_49 = tpu.memref_squeeze %dma_start3A_48 : memref<1x1x40x125xi32, #tpu.memory_space<hbm>> -> memref<40x125xi32, #tpu.memory_space<hbm>>
      tpu.enqueue_dma source(%dma_start3A_49 : memref<40x125xi32, #tpu.memory_space<hbm>>) target(%arg6 : memref<40x125xi32, #tpu.memory_space<vmem>>) target_semaphore(%run_scoped3A_41 : memref<!tpu.dma_semaphore, #tpu.memory_space<semaphore_mem>>)
      %dma_wait3A = arith.constant 0 : i32
      %dma_wait3A_50 = arith.constant 0 : i32
      %dma_wait3A_51 = tpu.memref_slice %arg3[%run_scoped3A_14, %add3A, %dma_wait3A, %dma_wait3A_50] : memref<2x32x40x125xi32, #tpu.memory_space<hbm>> -> memref<1x1x40x125xi32, #tpu.memory_space<hbm>>
      %dma_wait3A_52 = tpu.memref_squeeze %dma_wait3A_51 : memref<1x1x40x125xi32, #tpu.memory_space<hbm>> -> memref<40x125xi32, #tpu.memory_space<hbm>>
      %dma_wait3A_53 = arith.constant 0 : i32
      %dma_wait3A_54 = arith.constant 0 : i32
      %dma_wait3A_55 = tpu.memref_slice %arg3[%run_scoped3A_14, %add3A, %dma_wait3A_53, %dma_wait3A_54] : memref<2x32x40x125xi32, #tpu.memory_space<hbm>> -> memref<1x1x40x125xi32, #tpu.memory_space<hbm>>
      %dma_wait3A_56 = tpu.memref_squeeze %dma_wait3A_55 : memref<1x1x40x125xi32, #tpu.memory_space<hbm>> -> memref<40x125xi32, #tpu.memory_space<hbm>>
      tpu.wait_dma2 semaphore(%run_scoped3A_41 : memref<!tpu.dma_semaphore, #tpu.memory_space<semaphore_mem>>) src(%dma_wait3A_56 : memref<40x125xi32, #tpu.memory_space<hbm>>) dst(%arg6 : memref<40x125xi32, #tpu.memory_space<vmem>>)
      tpu.yield
    }) : () -> ()
    %broadcast_in_dim3A = arith.constant 0.000000e+00 : f32
    %broadcast_in_dim3A_15 = vector.broadcast %broadcast_in_dim3A : f32 to vector<16xf32>
    %scan3A = arith.constant 0 : i32
    %scan3A_16 = arith.constant 0 : i32
    %scan3A_17 = arith.constant 128 : i32
    %scan3A_18 = arith.addi %scan3A_16, %scan3A_17 : i32
    %scan3A_19 = arith.constant 1 : i32
    scf.for %scan3A_41 = %scan3A_16 to %scan3A_18 step %scan3A_19  : i32 {
      %jit3A = arith.constant 8 : i32
      %div3A = arith.divsi %scan3A_41, %jit3A : i32
      %sign3A = arith.constant 0 : i32
      %sign3A_42 = arith.cmpi sgt, %scan3A_41, %sign3A : i32
      %sign3A_43 = arith.extui %sign3A_42 : i1 to i32
      %sign3A_44 = arith.constant 0 : i32
      %sign3A_45 = arith.cmpi slt, %scan3A_41, %sign3A_44 : i32
      %sign3A_46 = arith.extui %sign3A_45 : i1 to i32
      %sign3A_47 = arith.subi %sign3A_43, %sign3A_46 : i32
      %sign3A_48 = arith.constant 0 : i32
      %sign3A_49 = arith.cmpi sgt, %jit3A, %sign3A_48 : i32
      %sign3A_50 = arith.extui %sign3A_49 : i1 to i32
      %sign3A_51 = arith.constant 0 : i32
      %sign3A_52 = arith.cmpi slt, %jit3A, %sign3A_51 : i32
      %sign3A_53 = arith.extui %sign3A_52 : i1 to i32
      %sign3A_54 = arith.subi %sign3A_50, %sign3A_53 : i32
      %ne3A = arith.cmpi ne, %sign3A_47, %sign3A_54 : i32
      %rem3A = arith.remsi %scan3A_41, %jit3A : i32
      %ne3A_55 = arith.constant 0 : i32
      %ne3A_56 = arith.cmpi ne, %rem3A, %ne3A_55 : i32
      %and3A = arith.andi %ne3A, %ne3A_56 : i1
      %sub3A = arith.constant 1 : i32
      %sub3A_57 = arith.subi %div3A, %sub3A : i32
      %select_n3A = arith.select %and3A, %sub3A_57, %div3A : i32
      %jit3A_58 = arith.constant 8 : i32
      %eq3A = arith.constant 0 : i32
      %eq3A_59 = arith.cmpi eq, %jit3A_58, %eq3A : i32
      %jit3A_60 = arith.constant 1 : i32
      %select_n3A_61 = arith.select %eq3A_59, %jit3A_60, %jit3A_58 : i32
      %rem3A_62 = arith.remsi %scan3A_41, %select_n3A_61 : i32
      %ne3A_63 = arith.constant 0 : i32
      %ne3A_64 = arith.cmpi ne, %rem3A_62, %ne3A_63 : i32
      %lt3A = arith.constant 0 : i32
      %lt3A_65 = arith.cmpi slt, %rem3A_62, %lt3A : i32
      %lt3A_66 = arith.constant 0 : i32
      %lt3A_67 = arith.cmpi slt, %select_n3A_61, %lt3A_66 : i32
      %ne3A_68 = arith.xori %lt3A_65, %lt3A_67 : i1
      %and3A_69 = arith.andi %ne3A_68, %ne3A_64 : i1
      %add3A_70 = arith.addi %rem3A_62, %select_n3A_61 : i32
      %select_n3A_71 = arith.select %and3A_69, %add3A_70, %rem3A_62 : i32
      %mul3A_72 = arith.constant 16 : i32
      %mul3A_73 = arith.muli %select_n3A_71, %mul3A_72 : i32
      %swap3A = arith.index_cast %select_n3A : i32 to index
      %swap3A_74 = arith.index_cast %mul3A_73 : i32 to index
      %swap3A_75 = tpu.vector_load %arg9[%swap3A, %swap3A_74] {strides = array<i32>} : memref<16x128xf32, #tpu.memory_space<vmem>>, vector<1x16xf32>,
      %swap3A_76 = vector.shape_cast %swap3A_75 : vector<1x16xf32> to vector<16xf32>
      %swap3A_77 = vector.shape_cast %broadcast_in_dim3A_15 : vector<16xf32> to vector<1x16xf32>
      tpu.vector_store %arg9[%swap3A, %swap3A_74], %swap3A_77 {strides = array<i32>} : memref<16x128xf32, #tpu.memory_space<vmem>>, vector<1x16xf32>,
    }
    %scan3A_20 = arith.constant 128 : i32
    %scan3A_21 = arith.constant 0 : i32
    %scan3A_22 = arith.constant 0 : i32
    %scan3A_23 = arith.constant 40 : i32
    %scan3A_24 = arith.addi %scan3A_22, %scan3A_23 : i32
    %scan3A_25 = arith.constant 1 : i32
    scf.for %scan3A_41 = %scan3A_22 to %scan3A_24 step %scan3A_25  : i32 {
      %mul3A_42 = arith.constant 640 : i32
      %mul3A_43 = arith.muli %arg1, %mul3A_42 : i32
      %mul3A_44 = arith.constant 16 : i32
      %mul3A_45 = arith.muli %scan3A_41, %mul3A_44 : i32
      %add3A_46 = arith.addi %mul3A_43, %mul3A_45 : i32
      "tpu.region"() ({
        %run_scoped3A_47 = tpu.sem_alloc : memref<!tpu.dma_semaphore, #tpu.memory_space<semaphore_mem>>
        %dma_start3A_48 = arith.constant 0 : i32
        %dma_start3A_49 = tpu.memref_slice %arg10[%add3A_46, %dma_start3A_48] : memref<10240x128xf32, #tpu.memory_space<vmem_shared>> -> memref<16x128xf32, #tpu.memory_space<vmem_shared>>
        %dma_start3A_50 = arith.constant 0 : i32
        %dma_start3A_51 = tpu.memref_slice %arg10[%add3A_46, %dma_start3A_50] : memref<10240x128xf32, #tpu.memory_space<vmem_shared>> -> memref<16x128xf32, #tpu.memory_space<vmem_shared>>
        tpu.enqueue_dma source(%arg9 : memref<16x128xf32, #tpu.memory_space<vmem>>) target(%dma_start3A_51 : memref<16x128xf32, #tpu.memory_space<vmem_shared>>) target_semaphore(%run_scoped3A_47 : memref<!tpu.dma_semaphore, #tpu.memory_space<semaphore_mem>>)
        %dma_wait3A = arith.constant 0 : i32
        %dma_wait3A_52 = tpu.memref_slice %arg10[%add3A_46, %dma_wait3A] : memref<10240x128xf32, #tpu.memory_space<vmem_shared>> -> memref<16x128xf32, #tpu.memory_space<vmem_shared>>
        %dma_wait3A_53 = arith.constant 0 : i32
        %dma_wait3A_54 = tpu.memref_slice %arg10[%add3A_46, %dma_wait3A_53] : memref<10240x128xf32, #tpu.memory_space<vmem_shared>> -> memref<16x128xf32, #tpu.memory_space<vmem_shared>>
        tpu.wait_dma2 semaphore(%run_scoped3A_47 : memref<!tpu.dma_semaphore, #tpu.memory_space<semaphore_mem>>) src(%arg9 : memref<16x128xf32, #tpu.memory_space<vmem>>) dst(%dma_wait3A_54 : memref<16x128xf32, #tpu.memory_space<vmem_shared>>)
        tpu.yield
      }) : () -> ()
    }
    %scan3A_26 = arith.constant 40 : i32
    %barrier3A = arith.constant 0 : index
    tpu.barrier barrier_id(%barrier3A)
    %scan3A_27 = arith.constant 0 : i32
    %scan3A_28 = arith.constant 0 : i32
    %scan3A_29 = arith.constant 20 : i32
    %scan3A_30 = arith.addi %scan3A_28, %scan3A_29 : i32
    %scan3A_31 = arith.constant 1 : i32
    scf.for %scan3A_41 = %scan3A_28 to %scan3A_30 step %scan3A_31  : i32 {
      %mul3A_42 = arith.constant 2 : i32
      %mul3A_43 = arith.muli %mul3A_42, %scan3A_41 : i32
      %dma_wait3A = arith.constant 0 : i32
      %dma_wait3A_44 = tpu.memref_slice %arg5[%mul3A_43, %dma_wait3A] : memref<40x125xi32, #tpu.memory_space<vmem>> -> memref<1x125xi32, #tpu.memory_space<vmem>>
      %dma_wait3A_45 = tpu.memref_squeeze %dma_wait3A_44 : memref<1x125xi32, #tpu.memory_space<vmem>> -> memref<125xi32, #tpu.memory_space<vmem>>
      %dma_wait3A_46 = arith.constant 0 : i32
      %dma_wait3A_47 = arith.constant 0 : i32
      %dma_wait3A_48 = tpu.memref_slice %arg2[%dma_wait3A_46, %dma_wait3A_47] : memref<10000x128xf32, #tpu.memory_space<hbm>> -> memref<10000x128xf32, #tpu.memory_space<hbm>>
      tpu.wait_indirect_dma semaphore(%arg11 : memref<!tpu.dma_semaphore, #tpu.memory_space<semaphore_mem>>) src(%dma_wait3A_48 : memref<10000x128xf32, #tpu.memory_space<hbm>>) dst(%arg7 : memref<125x128xf32, #tpu.memory_space<vmem>>)
      "tpu.region"() ({
        %run_scoped3A_66 = tpu.sem_alloc : memref<!tpu.dma_semaphore, #tpu.memory_space<semaphore_mem>>
        %dma_start3A_67 = arith.constant 0 : i32
        %dma_start3A_68 = tpu.memref_slice %arg6[%mul3A_43, %dma_start3A_67] : memref<40x125xi32, #tpu.memory_space<vmem>> -> memref<1x125xi32, #tpu.memory_space<vmem>>
        %dma_start3A_69 = tpu.memref_squeeze %dma_start3A_68 : memref<1x125xi32, #tpu.memory_space<vmem>> -> memref<125xi32, #tpu.memory_space<vmem>>
        %dma_start3A_70 = arith.constant 0 : i32
        %dma_start3A_71 = arith.constant 0 : i32
        %dma_start3A_72 = tpu.memref_slice %arg10[%dma_start3A_70, %dma_start3A_71] : memref<10240x128xf32, #tpu.memory_space<vmem_shared>> -> memref<10240x128xf32, #tpu.memory_space<vmem_shared>>
        tpu.enqueue_indirect_dma source(%arg7 : memref<125x128xf32, #tpu.memory_space<vmem>>) target(%dma_start3A_72 : memref<10240x128xf32, #tpu.memory_space<vmem_shared>>) offsets(%dma_start3A_69 : memref<125xi32, #tpu.memory_space<vmem>>) semaphore(%run_scoped3A_66 : memref<!tpu.dma_semaphore, #tpu.memory_space<semaphore_mem>>) {add = true}
        %dma_wait3A_73 = arith.constant 0 : i32
        %dma_wait3A_74 = tpu.memref_slice %arg6[%mul3A_43, %dma_wait3A_73] : memref<40x125xi32, #tpu.memory_space<vmem>> -> memref<1x125xi32, #tpu.memory_space<vmem>>
        %dma_wait3A_75 = tpu.memref_squeeze %dma_wait3A_74 : memref<1x125xi32, #tpu.memory_space<vmem>> -> memref<125xi32, #tpu.memory_space<vmem>>
        %dma_wait3A_76 = arith.constant 0 : i32
        %dma_wait3A_77 = arith.constant 0 : i32
        %dma_wait3A_78 = tpu.memref_slice %arg10[%dma_wait3A_76, %dma_wait3A_77] : memref<10240x128xf32, #tpu.memory_space<vmem_shared>> -> memref<10240x128xf32, #tpu.memory_space<vmem_shared>>
        tpu.wait_indirect_dma semaphore(%run_scoped3A_66 : memref<!tpu.dma_semaphore, #tpu.memory_space<semaphore_mem>>) src(%arg7 : memref<125x128xf32, #tpu.memory_space<vmem>>) dst(%dma_wait3A_78 : memref<10240x128xf32, #tpu.memory_space<vmem_shared>>)
        tpu.yield
      }) : () -> ()
      %lt3A = arith.constant 19 : i32
      %lt3A_49 = arith.cmpi slt, %scan3A_41, %lt3A : i32
      %convert_element_type3A = arith.extui %lt3A_49 : i1 to i32
      %cond3A = arith.constant 0 : i32
      %cond3A_50 = arith.cmpi ne, %convert_element_type3A, %cond3A : i32
      scf.if %cond3A_50 {
        %add3A_66 = arith.constant 2 : i32
        %add3A_67 = arith.addi %mul3A_43, %add3A_66 : i32
        %dma_start3A_68 = arith.constant 0 : i32
        %dma_start3A_69 = tpu.memref_slice %arg5[%add3A_67, %dma_start3A_68] : memref<40x125xi32, #tpu.memory_space<vmem>> -> memref<1x125xi32, #tpu.memory_space<vmem>>
        %dma_start3A_70 = tpu.memref_squeeze %dma_start3A_69 : memref<1x125xi32, #tpu.memory_space<vmem>> -> memref<125xi32, #tpu.memory_space<vmem>>
        %dma_start3A_71 = arith.constant 0 : i32
        %dma_start3A_72 = arith.constant 0 : i32
        %dma_start3A_73 = tpu.memref_slice %arg2[%dma_start3A_71, %dma_start3A_72] : memref<10000x128xf32, #tpu.memory_space<hbm>> -> memref<10000x128xf32, #tpu.memory_space<hbm>>
        tpu.enqueue_indirect_dma source(%dma_start3A_73 : memref<10000x128xf32, #tpu.memory_space<hbm>>) target(%arg7 : memref<125x128xf32, #tpu.memory_space<vmem>>) offsets(%dma_start3A_70 : memref<125xi32, #tpu.memory_space<vmem>>) semaphore(%arg11 : memref<!tpu.dma_semaphore, #tpu.memory_space<semaphore_mem>>)
      } else {
      }
      %add3A_51 = arith.constant 1 : i32
      %add3A_52 = arith.addi %mul3A_43, %add3A_51 : i32
      %dma_wait3A_53 = arith.constant 0 : i32
      %dma_wait3A_54 = tpu.memref_slice %arg5[%add3A_52, %dma_wait3A_53] : memref<40x125xi32, #tpu.memory_space<vmem>> -> memref<1x125xi32, #tpu.memory_space<vmem>>
      %dma_wait3A_55 = tpu.memref_squeeze %dma_wait3A_54 : memref<1x125xi32, #tpu.memory_space<vmem>> -> memref<125xi32, #tpu.memory_space<vmem>>
      %dma_wait3A_56 = arith.constant 0 : i32
      %dma_wait3A_57 = arith.constant 0 : i32
      %dma_wait3A_58 = tpu.memref_slice %arg2[%dma_wait3A_56, %dma_wait3A_57] : memref<10000x128xf32, #tpu.memory_space<hbm>> -> memref<10000x128xf32, #tpu.memory_space<hbm>>
      tpu.wait_indirect_dma semaphore(%arg12 : memref<!tpu.dma_semaphore, #tpu.memory_space<semaphore_mem>>) src(%dma_wait3A_58 : memref<10000x128xf32, #tpu.memory_space<hbm>>) dst(%arg8 : memref<125x128xf32, #tpu.memory_space<vmem>>)
      %add3A_59 = arith.constant 1 : i32
      %add3A_60 = arith.addi %mul3A_43, %add3A_59 : i32
      "tpu.region"() ({
        %run_scoped3A_66 = tpu.sem_alloc : memref<!tpu.dma_semaphore, #tpu.memory_space<semaphore_mem>>
        %dma_start3A_67 = arith.constant 0 : i32
        %dma_start3A_68 = tpu.memref_slice %arg6[%add3A_60, %dma_start3A_67] : memref<40x125xi32, #tpu.memory_space<vmem>> -> memref<1x125xi32, #tpu.memory_space<vmem>>
        %dma_start3A_69 = tpu.memref_squeeze %dma_start3A_68 : memref<1x125xi32, #tpu.memory_space<vmem>> -> memref<125xi32, #tpu.memory_space<vmem>>
        %dma_start3A_70 = arith.constant 0 : i32
        %dma_start3A_71 = arith.constant 0 : i32
        %dma_start3A_72 = tpu.memref_slice %arg10[%dma_start3A_70, %dma_start3A_71] : memref<10240x128xf32, #tpu.memory_space<vmem_shared>> -> memref<10240x128xf32, #tpu.memory_space<vmem_shared>>
        tpu.enqueue_indirect_dma source(%arg8 : memref<125x128xf32, #tpu.memory_space<vmem>>) target(%dma_start3A_72 : memref<10240x128xf32, #tpu.memory_space<vmem_shared>>) offsets(%dma_start3A_69 : memref<125xi32, #tpu.memory_space<vmem>>) semaphore(%run_scoped3A_66 : memref<!tpu.dma_semaphore, #tpu.memory_space<semaphore_mem>>) {add = true}
        %dma_wait3A_73 = arith.constant 0 : i32
        %dma_wait3A_74 = tpu.memref_slice %arg6[%add3A_60, %dma_wait3A_73] : memref<40x125xi32, #tpu.memory_space<vmem>> -> memref<1x125xi32, #tpu.memory_space<vmem>>
        %dma_wait3A_75 = tpu.memref_squeeze %dma_wait3A_74 : memref<1x125xi32, #tpu.memory_space<vmem>> -> memref<125xi32, #tpu.memory_space<vmem>>
        %dma_wait3A_76 = arith.constant 0 : i32
        %dma_wait3A_77 = arith.constant 0 : i32
        %dma_wait3A_78 = tpu.memref_slice %arg10[%dma_wait3A_76, %dma_wait3A_77] : memref<10240x128xf32, #tpu.memory_space<vmem_shared>> -> memref<10240x128xf32, #tpu.memory_space<vmem_shared>>
        tpu.wait_indirect_dma semaphore(%run_scoped3A_66 : memref<!tpu.dma_semaphore, #tpu.memory_space<semaphore_mem>>) src(%arg8 : memref<125x128xf32, #tpu.memory_space<vmem>>) dst(%dma_wait3A_78 : memref<10240x128xf32, #tpu.memory_space<vmem_shared>>)
        tpu.yield
      }) : () -> ()
      %lt3A_61 = arith.constant 19 : i32
      %lt3A_62 = arith.cmpi slt, %scan3A_41, %lt3A_61 : i32
      %convert_element_type3A_63 = arith.extui %lt3A_62 : i1 to i32
      %cond3A_64 = arith.constant 0 : i32
      %cond3A_65 = arith.cmpi ne, %convert_element_type3A_63, %cond3A_64 : i32
      scf.if %cond3A_65 {
        %add3A_66 = arith.constant 3 : i32
        %add3A_67 = arith.addi %mul3A_43, %add3A_66 : i32
        %dma_start3A_68 = arith.constant 0 : i32
        %dma_start3A_69 = tpu.memref_slice %arg5[%add3A_67, %dma_start3A_68] : memref<40x125xi32, #tpu.memory_space<vmem>> -> memref<1x125xi32, #tpu.memory_space<vmem>>
        %dma_start3A_70 = tpu.memref_squeeze %dma_start3A_69 : memref<1x125xi32, #tpu.memory_space<vmem>> -> memref<125xi32, #tpu.memory_space<vmem>>
        %dma_start3A_71 = arith.constant 0 : i32
        %dma_start3A_72 = arith.constant 0 : i32
        %dma_start3A_73 = tpu.memref_slice %arg2[%dma_start3A_71, %dma_start3A_72] : memref<10000x128xf32, #tpu.memory_space<hbm>> -> memref<10000x128xf32, #tpu.memory_space<hbm>>
        tpu.enqueue_indirect_dma source(%dma_start3A_73 : memref<10000x128xf32, #tpu.memory_space<hbm>>) target(%arg8 : memref<125x128xf32, #tpu.memory_space<vmem>>) offsets(%dma_start3A_70 : memref<125xi32, #tpu.memory_space<vmem>>) semaphore(%arg12 : memref<!tpu.dma_semaphore, #tpu.memory_space<semaphore_mem>>)
      } else {
      }
    }
    %scan3A_32 = arith.constant 20 : i32
    %barrier3A_33 = arith.constant 0 : index
    tpu.barrier barrier_id(%barrier3A_33)
    %mul3A_34 = arith.constant 640 : i32
    %mul3A_35 = arith.muli %arg1, %mul3A_34 : i32
    %mul3A_36 = arith.constant 10240 : i32
    %mul3A_37 = arith.muli %arg0, %mul3A_36 : i32
    %mul3A_38 = arith.constant 640 : i32
    %mul3A_39 = arith.muli %arg1, %mul3A_38 : i32
    %add3A_40 = arith.addi %mul3A_37, %mul3A_39 : i32
    "tpu.region"() ({
      %run_scoped3A_41 = tpu.sem_alloc : memref<!tpu.dma_semaphore, #tpu.memory_space<semaphore_mem>>
      %dma_start3A_42 = arith.constant 0 : i32
      %dma_start3A_43 = tpu.memref_slice %arg4[%add3A_40, %dma_start3A_42] : memref<20480x128xf32, #tpu.memory_space<hbm>> -> memref<640x128xf32, #tpu.memory_space<hbm>>
      %dma_start3A_44 = arith.constant 0 : i32
      %dma_start3A_45 = tpu.memref_slice %arg10[%mul3A_35, %dma_start3A_44] : memref<10240x128xf32, #tpu.memory_space<vmem_shared>> -> memref<640x128xf32, #tpu.memory_space<vmem_shared>>
      tpu.enqueue_dma source(%dma_start3A_45 : memref<640x128xf32, #tpu.memory_space<vmem_shared>>) target(%dma_start3A_43 : memref<640x128xf32, #tpu.memory_space<hbm>>) target_semaphore(%run_scoped3A_41 : memref<!tpu.dma_semaphore, #tpu.memory_space<semaphore_mem>>)
      %dma_wait3A = arith.constant 0 : i32
      %dma_wait3A_46 = tpu.memref_slice %arg4[%add3A_40, %dma_wait3A] : memref<20480x128xf32, #tpu.memory_space<hbm>> -> memref<640x128xf32, #tpu.memory_space<hbm>>
      %dma_wait3A_47 = arith.constant 0 : i32
      %dma_wait3A_48 = tpu.memref_slice %arg10[%mul3A_35, %dma_wait3A_47] : memref<10240x128xf32, #tpu.memory_space<vmem_shared>> -> memref<640x128xf32, #tpu.memory_space<vmem_shared>>
      tpu.wait_dma2 semaphore(%run_scoped3A_41 : memref<!tpu.dma_semaphore, #tpu.memory_space<semaphore_mem>>) src(%dma_wait3A_48 : memref<640x128xf32, #tpu.memory_space<vmem_shared>>) dst(%dma_wait3A_46 : memref<640x128xf32, #tpu.memory_space<hbm>>)
      tpu.yield
    }) : () -> ()
    return
  }
}

module attributes {stable_mosaic.version = 14 : i64} {
  func.func @_mm_body(%arg0: i32, %arg1: memref<2048x512xf32, #tpu.memory_space<vmem>>, %arg2: memref<512x128xf32, #tpu.memory_space<vmem>>, %arg3: memref<2048x128xf32, #tpu.memory_space<vmem>>) attributes {dimension_semantics = [#tpu.dimension_semantics<arbitrary>], iteration_bounds = array<i64: 5>, scalar_prefetch = 0 : i64, scratch_operands = 0 : i64, tpu.core_type = #tpu.core_type<tc>, window_params = [{transform_indices = @transform_0, window_bounds = array<i64: 2048, 512>}, {pipeline_mode = #tpu.pipeline_mode<synchronous>, transform_indices = @transform_1, window_bounds = array<i64: 512, 128>}, {transform_indices = @transform_2, window_bounds = array<i64: 2048, 128>}]} {
    %get3A = arith.constant 0 : index
    %get3A_0 = arith.constant 0 : index
    %get3A_1 = vector.load %arg1[%get3A, %get3A_0] : memref<2048x512xf32, #tpu.memory_space<vmem>>, vector<2048x512xf32>
    %get3A_2 = arith.constant 0 : index
    %get3A_3 = arith.constant 0 : index
    %get3A_4 = vector.load %arg2[%get3A_2, %get3A_3] : memref<512x128xf32, #tpu.memory_space<vmem>>, vector<512x128xf32>
    %dot_general3A = arith.constant dense<0.000000e+00> : vector<2048x128xf32>
    %dot_general3A_5 = tpu.matmul %get3A_1, %get3A_4, %dot_general3A {dimension_numbers = #tpu.dot_dimension_numbers<[1], [0], [0], [1], [0, 0, 1, 1], [], []>, transpose_lhs_hint = false} : vector<2048x512xf32>, vector<512x128xf32>, vector<2048x128xf32> -> vector<2048x128xf32>
    %swap3A = arith.constant 0 : index
    %swap3A_6 = arith.constant 0 : index
    %swap3A_7 = vector.load %arg3[%swap3A, %swap3A_6] : memref<2048x128xf32, #tpu.memory_space<vmem>>, vector<2048x128xf32>
    tpu.vector_store %arg3[%swap3A, %swap3A_6], %dot_general3A_5 {strides = array<i32>} : memref<2048x128xf32, #tpu.memory_space<vmem>>, vector<2048x128xf32>,
    return
  }
  func.func @transform_0(%arg0: i32) -> (i32, i32) {
    %c0_i32 = arith.constant 0 : i32
    %c0_i32_0 = arith.constant 0 : i32
    return %arg0, %c0_i32 : i32, i32
  }
  func.func @transform_1(%arg0: i32) -> (i32, i32) {
    %c0_i32 = arith.constant 0 : i32
    %c0_i32_0 = arith.constant 0 : i32
    %c0_i32_1 = arith.constant 0 : i32
    return %c0_i32, %c0_i32_0 : i32, i32
  }
  func.func @transform_2(%arg0: i32) -> (i32, i32) {
    %c0_i32 = arith.constant 0 : i32
    %c0_i32_0 = arith.constant 0 : i32
    return %arg0, %c0_i32 : i32, i32
  }
}

module attributes {stable_mosaic.version = 14 : i64} {
  func.func @_mlp_body_next(%arg0: i32, %arg1: memref<2048x128xf32, #tpu.memory_space<vmem>>, %arg2: memref<2048x128xf32, #tpu.memory_space<vmem>>, %arg3: memref<2048x128xf32, #tpu.memory_space<vmem>>, %arg4: memref<1x128xf32, #tpu.memory_space<vmem>>, %arg5: memref<1x128xf32, #tpu.memory_space<vmem>>, %arg6: memref<128x128xf32, #tpu.memory_space<vmem>>, %arg7: memref<1x128xf32, #tpu.memory_space<vmem>>, %arg8: memref<128x128xf32, #tpu.memory_space<vmem>>, %arg9: memref<2048xi32, #tpu.memory_space<vmem>>, %arg10: memref<2048x128xf32, #tpu.memory_space<vmem>>, %arg11: memref<64x128xf32, #tpu.memory_space<vmem>>) attributes {dimension_semantics = [#tpu.dimension_semantics<arbitrary>], iteration_bounds = array<i64: 5>, scalar_prefetch = 0 : i64, scratch_operands = 0 : i64, tpu.core_type = #tpu.core_type<tc>, window_params = [{transform_indices = @transform_0, window_bounds = array<i64: 2048, 128>}, {transform_indices = @transform_1, window_bounds = array<i64: 2048, 128>}, {transform_indices = @transform_2, window_bounds = array<i64: 2048, 128>}, {pipeline_mode = #tpu.pipeline_mode<synchronous>, transform_indices = @transform_3, window_bounds = array<i64: 1, 128>}, {pipeline_mode = #tpu.pipeline_mode<synchronous>, transform_indices = @transform_4, window_bounds = array<i64: 1, 128>}, {pipeline_mode = #tpu.pipeline_mode<synchronous>, transform_indices = @transform_5, window_bounds = array<i64: 128, 128>}, {pipeline_mode = #tpu.pipeline_mode<synchronous>, transform_indices = @transform_6, window_bounds = array<i64: 1, 128>}, {pipeline_mode = #tpu.pipeline_mode<synchronous>, transform_indices = @transform_7, window_bounds = array<i64: 128, 128>}, {transform_indices = @transform_8, window_bounds = array<i64: 2048>}, {transform_indices = @transform_9, window_bounds = array<i64: 2048, 128>}, {pipeline_mode = #tpu.pipeline_mode<synchronous>, transform_indices = @transform_10, window_bounds = array<i64: 64, 128>}]} {
    %get3A = arith.constant 0 : index
    %get3A_0 = arith.constant 0 : index
    %get3A_1 = vector.load %arg1[%get3A, %get3A_0] : memref<2048x128xf32, #tpu.memory_space<vmem>>, vector<2048x128xf32>
    %get3A_2 = arith.constant 0 : index
    %get3A_3 = arith.constant 0 : index
    %get3A_4 = vector.load %arg2[%get3A_2, %get3A_3] : memref<2048x128xf32, #tpu.memory_space<vmem>>, vector<2048x128xf32>
    %add3A = arith.addf %get3A_1, %get3A_4 : vector<2048x128xf32>
    %get3A_5 = arith.constant 0 : index
    %get3A_6 = arith.constant 0 : index
    %get3A_7 = vector.load %arg3[%get3A_5, %get3A_6] : memref<2048x128xf32, #tpu.memory_space<vmem>>, vector<2048x128xf32>
    %add3A_8 = arith.addf %add3A, %get3A_7 : vector<2048x128xf32>
    %get3A_9 = arith.constant 0 : index
    %get3A_10 = arith.constant 0 : index
    %get3A_11 = vector.load %arg4[%get3A_9, %get3A_10] : memref<1x128xf32, #tpu.memory_space<vmem>>, vector<1x128xf32>
    %mul3A = vector.broadcast %get3A_11 : vector<1x128xf32> to vector<2048x128xf32>
    %mul3A_12 = arith.mulf %add3A_8, %mul3A : vector<2048x128xf32>
    %get3A_13 = arith.constant 0 : index
    %get3A_14 = arith.constant 0 : index
    %get3A_15 = vector.load %arg5[%get3A_13, %get3A_14] : memref<1x128xf32, #tpu.memory_space<vmem>>, vector<1x128xf32>
    %add3A_16 = vector.broadcast %get3A_15 : vector<1x128xf32> to vector<2048x128xf32>
    %add3A_17 = arith.addf %mul3A_12, %add3A_16 : vector<2048x128xf32>
    %max3A = arith.constant 0.000000e+00 : f32
    %max3A_18 = vector.broadcast %max3A : f32 to vector<2048x128xf32>
    %max3A_19 = arith.maximumf %add3A_17, %max3A_18 : vector<2048x128xf32>
    %get3A_20 = arith.constant 0 : index
    %get3A_21 = arith.constant 0 : index
    %get3A_22 = vector.load %arg6[%get3A_20, %get3A_21] : memref<128x128xf32, #tpu.memory_space<vmem>>, vector<128x128xf32>
    %dot_general3A = arith.constant dense<0.000000e+00> : vector<2048x128xf32>
    %dot_general3A_23 = tpu.matmul %max3A_19, %get3A_22, %dot_general3A {dimension_numbers = #tpu.dot_dimension_numbers<[1], [0], [0], [1], [0, 0, 1, 1], [], []>, transpose_lhs_hint = false} : vector<2048x128xf32>, vector<128x128xf32>, vector<2048x128xf32> -> vector<2048x128xf32>
    %get3A_24 = arith.constant 0 : index
    %get3A_25 = arith.constant 0 : index
    %get3A_26 = vector.load %arg7[%get3A_24, %get3A_25] : memref<1x128xf32, #tpu.memory_space<vmem>>, vector<1x128xf32>
    %add3A_27 = vector.broadcast %get3A_26 : vector<1x128xf32> to vector<2048x128xf32>
    %add3A_28 = arith.addf %dot_general3A_23, %add3A_27 : vector<2048x128xf32>
    %max3A_29 = arith.constant 0.000000e+00 : f32
    %max3A_30 = vector.broadcast %max3A_29 : f32 to vector<2048x128xf32>
    %max3A_31 = arith.maximumf %add3A_28, %max3A_30 : vector<2048x128xf32>
    %get3A_32 = arith.constant 0 : index
    %get3A_33 = arith.constant 0 : index
    %get3A_34 = vector.load %arg8[%get3A_32, %get3A_33] : memref<128x128xf32, #tpu.memory_space<vmem>>, vector<128x128xf32>
    %dot_general3A_35 = arith.constant dense<0.000000e+00> : vector<2048x128xf32>
    %dot_general3A_36 = tpu.matmul %max3A_31, %get3A_34, %dot_general3A_35 {dimension_numbers = #tpu.dot_dimension_numbers<[1], [0], [0], [1], [0, 0, 1, 1], [], []>, transpose_lhs_hint = false} : vector<2048x128xf32>, vector<128x128xf32>, vector<2048x128xf32> -> vector<2048x128xf32>
    %swap3A = arith.constant 0 : index
    %swap3A_37 = arith.constant 0 : index
    %swap3A_38 = vector.load %arg10[%swap3A, %swap3A_37] : memref<2048x128xf32, #tpu.memory_space<vmem>>, vector<2048x128xf32>
    tpu.vector_store %arg10[%swap3A, %swap3A_37], %dot_general3A_36 {strides = array<i32>} : memref<2048x128xf32, #tpu.memory_space<vmem>>, vector<2048x128xf32>,
    %eq3A = arith.constant 0 : i32
    %eq3A_39 = arith.cmpi eq, %arg0, %eq3A : i32
    %convert_element_type3A = arith.extui %eq3A_39 : i1 to i32
    %cond3A = arith.constant 0 : i32
    %cond3A_40 = arith.cmpi ne, %convert_element_type3A, %cond3A : i32
    scf.if %cond3A_40 {
      %broadcast_in_dim3A_66 = arith.constant 0.000000e+00 : f32
      %broadcast_in_dim3A_67 = vector.broadcast %broadcast_in_dim3A_66 : f32 to vector<64x128xf32>
      %swap3A_68 = arith.constant 0 : index
      %swap3A_69 = arith.constant 0 : index
      %swap3A_70 = vector.load %arg11[%swap3A_68, %swap3A_69] : memref<64x128xf32, #tpu.memory_space<vmem>>, vector<64x128xf32>
      tpu.vector_store %arg11[%swap3A_68, %swap3A_69], %broadcast_in_dim3A_67 {strides = array<i32>} : memref<64x128xf32, #tpu.memory_space<vmem>>, vector<64x128xf32>,
    } else {
    }
    %iota3A = tpu.iota {dimensions = array<i32: 0>} : vector<2048x1xi32>
    %mul3A_41 = arith.constant 2048 : i32
    %mul3A_42 = arith.muli %arg0, %mul3A_41 : i32
    %add3A_43 = vector.broadcast %mul3A_42 : i32 to vector<2048x1xi32>
    %add3A_44 = arith.addi %iota3A, %add3A_43 : vector<2048x1xi32>
    %lt3A = arith.constant 10000 : i32
    %lt3A_45 = vector.broadcast %lt3A : i32 to vector<2048x1xi32>
    %lt3A_46 = arith.cmpi slt, %add3A_44, %lt3A_45 : vector<2048x1xi32>
    %jit3A = arith.constant 0.000000e+00 : f32
    %broadcast_in_dim3A = vector.shape_cast %lt3A_46 : vector<2048x1xi1> to vector<2048x1xi1>
    %broadcast_in_dim3A_47 = vector.broadcast %broadcast_in_dim3A : vector<2048x1xi1> to vector<2048x128xi1>
    %broadcast_in_dim3A_48 = vector.broadcast %jit3A : f32 to vector<2048x128xf32>
    %select_n3A = arith.select %broadcast_in_dim3A_47, %max3A_31, %broadcast_in_dim3A_48 : vector<2048x128xi1>, vector<2048x128xf32>
    %iota3A_49 = tpu.iota {dimensions = array<i32: 0>} : vector<64x2048xi32>
    %get3A_50 = arith.constant 0 : index
    %get3A_51 = vector.load %arg9[%get3A_50] : memref<2048xi32, #tpu.memory_space<vmem>>, vector<2048xi32>
    %broadcast_in_dim3A_52 = vector.shape_cast %get3A_51 : vector<2048xi32> to vector<1x2048xi32>
    %eq3A_53 = vector.broadcast %broadcast_in_dim3A_52 : vector<1x2048xi32> to vector<64x2048xi32>
    %eq3A_54 = arith.cmpi eq, %iota3A_49, %eq3A_53 : vector<64x2048xi32>
    %convert_element_type3A_55 = arith.extui %eq3A_54 : vector<64x2048xi1> to vector<64x2048xi32>
    %convert_element_type3A_56 = arith.sitofp %convert_element_type3A_55 : vector<64x2048xi32> to vector<64x2048xf32>
    %get3A_57 = arith.constant 0 : index
    %get3A_58 = arith.constant 0 : index
    %get3A_59 = vector.load %arg11[%get3A_57, %get3A_58] : memref<64x128xf32, #tpu.memory_space<vmem>>, vector<64x128xf32>
    %dot_general3A_60 = arith.constant dense<0.000000e+00> : vector<64x128xf32>
    %dot_general3A_61 = tpu.matmul %convert_element_type3A_56, %select_n3A, %dot_general3A_60 {dimension_numbers = #tpu.dot_dimension_numbers<[1], [0], [0], [1], [0, 0, 1, 1], [], []>, transpose_lhs_hint = false} : vector<64x2048xf32>, vector<2048x128xf32>, vector<64x128xf32> -> vector<64x128xf32>
    %add3A_62 = arith.addf %get3A_59, %dot_general3A_61 : vector<64x128xf32>
    %swap3A_63 = arith.constant 0 : index
    %swap3A_64 = arith.constant 0 : index
    %swap3A_65 = vector.load %arg11[%swap3A_63, %swap3A_64] : memref<64x128xf32, #tpu.memory_space<vmem>>, vector<64x128xf32>
    tpu.vector_store %arg11[%swap3A_63, %swap3A_64], %add3A_62 {strides = array<i32>} : memref<64x128xf32, #tpu.memory_space<vmem>>, vector<64x128xf32>,
    return
  }
  func.func @transform_0(%arg0: i32) -> (i32, i32) {
    %c0_i32 = arith.constant 0 : i32
    %c0_i32_0 = arith.constant 0 : i32
    return %arg0, %c0_i32 : i32, i32
  }
  func.func @transform_1(%arg0: i32) -> (i32, i32) {
    %c0_i32 = arith.constant 0 : i32
    %c0_i32_0 = arith.constant 0 : i32
    return %arg0, %c0_i32 : i32, i32
  }
  func.func @transform_2(%arg0: i32) -> (i32, i32) {
    %add3A = arith.constant 5 : i32
    %add3A_0 = arith.addi %arg0, %add3A : i32
    %c0_i32 = arith.constant 0 : i32
    %c0_i32_1 = arith.constant 0 : i32
    return %add3A_0, %c0_i32 : i32, i32
  }
  func.func @transform_3(%arg0: i32) -> (i32, i32) {
    %c0_i32 = arith.constant 0 : i32
    %c0_i32_0 = arith.constant 0 : i32
    %c0_i32_1 = arith.constant 0 : i32
    return %c0_i32, %c0_i32_0 : i32, i32
  }
  func.func @transform_4(%arg0: i32) -> (i32, i32) {
    %c0_i32 = arith.constant 0 : i32
    %c0_i32_0 = arith.constant 0 : i32
    %c0_i32_1 = arith.constant 0 : i32
    return %c0_i32, %c0_i32_0 : i32, i32
  }
  func.func @transform_5(%arg0: i32) -> (i32, i32) {
    %c0_i32 = arith.constant 0 : i32
    %c0_i32_0 = arith.constant 0 : i32
    %c0_i32_1 = arith.constant 0 : i32
    return %c0_i32, %c0_i32_0 : i32, i32
  }
  func.func @transform_6(%arg0: i32) -> (i32, i32) {
    %c0_i32 = arith.constant 0 : i32
    %c0_i32_0 = arith.constant 0 : i32
    %c0_i32_1 = arith.constant 0 : i32
    return %c0_i32, %c0_i32_0 : i32, i32
  }
  func.func @transform_7(%arg0: i32) -> (i32, i32) {
    %c0_i32 = arith.constant 0 : i32
    %c0_i32_0 = arith.constant 0 : i32
    %c0_i32_1 = arith.constant 0 : i32
    return %c0_i32, %c0_i32_0 : i32, i32
  }
  func.func @transform_8(%arg0: i32) -> i32 {
    %c0_i32 = arith.constant 0 : i32
    return %arg0 : i32
  }
  func.func @transform_9(%arg0: i32) -> (i32, i32) {
    %c0_i32 = arith.constant 0 : i32
    %c0_i32_0 = arith.constant 0 : i32
    return %arg0, %c0_i32 : i32, i32
  }
  func.func @transform_10(%arg0: i32) -> (i32, i32) {
    %c0_i32 = arith.constant 0 : i32
    %c0_i32_0 = arith.constant 0 : i32
    %c0_i32_1 = arith.constant 0 : i32
    return %c0_i32, %c0_i32_0 : i32, i32
  }
}

module attributes {stable_mosaic.version = 14 : i64} {
  func.func @_mlp_body_last(%arg0: i32, %arg1: memref<2048x128xf32, #tpu.memory_space<vmem>>, %arg2: memref<2048x128xf32, #tpu.memory_space<vmem>>, %arg3: memref<2048x128xf32, #tpu.memory_space<vmem>>, %arg4: memref<1x128xf32, #tpu.memory_space<vmem>>, %arg5: memref<1x128xf32, #tpu.memory_space<vmem>>, %arg6: memref<128x128xf32, #tpu.memory_space<vmem>>, %arg7: memref<1x128xf32, #tpu.memory_space<vmem>>, %arg8: memref<2048xi32, #tpu.memory_space<vmem>>, %arg9: memref<64x128xf32, #tpu.memory_space<vmem>>, %arg10: memref<64x128xf32, #tpu.memory_space<vmem>>, %arg11: memref<384x64xf32, #tpu.memory_space<vmem>>, %arg12: memref<1x64xf32, #tpu.memory_space<vmem>>, %arg13: memref<64x2xf32, #tpu.memory_space<vmem>>, %arg14: memref<1x2xf32, #tpu.memory_space<vmem>>, %arg15: memref<64x2xf32, #tpu.memory_space<vmem>>, %arg16: memref<64x2xf32, #tpu.memory_space<vmem>>, %arg17: memref<64x128xf32, #tpu.memory_space<vmem>>) attributes {dimension_semantics = [#tpu.dimension_semantics<arbitrary>], iteration_bounds = array<i64: 5>, scalar_prefetch = 0 : i64, scratch_operands = 0 : i64, tpu.core_type = #tpu.core_type<tc>, window_params = [{transform_indices = @transform_0, window_bounds = array<i64: 2048, 128>}, {transform_indices = @transform_1, window_bounds = array<i64: 2048, 128>}, {transform_indices = @transform_2, window_bounds = array<i64: 2048, 128>}, {pipeline_mode = #tpu.pipeline_mode<synchronous>, transform_indices = @transform_3, window_bounds = array<i64: 1, 128>}, {pipeline_mode = #tpu.pipeline_mode<synchronous>, transform_indices = @transform_4, window_bounds = array<i64: 1, 128>}, {pipeline_mode = #tpu.pipeline_mode<synchronous>, transform_indices = @transform_5, window_bounds = array<i64: 128, 128>}, {pipeline_mode = #tpu.pipeline_mode<synchronous>, transform_indices = @transform_6, window_bounds = array<i64: 1, 128>}, {transform_indices = @transform_7, window_bounds = array<i64: 2048>}, {pipeline_mode = #tpu.pipeline_mode<synchronous>, transform_indices = @transform_8, window_bounds = array<i64: 64, 128>}, {pipeline_mode = #tpu.pipeline_mode<synchronous>, transform_indices = @transform_9, window_bounds = array<i64: 64, 128>}, {pipeline_mode = #tpu.pipeline_mode<synchronous>, transform_indices = @transform_10, window_bounds = array<i64: 384, 64>}, {pipeline_mode = #tpu.pipeline_mode<synchronous>, transform_indices = @transform_11, window_bounds = array<i64: 1, 64>}, {pipeline_mode = #tpu.pipeline_mode<synchronous>, transform_indices = @transform_12, window_bounds = array<i64: 64, 2>}, {pipeline_mode = #tpu.pipeline_mode<synchronous>, transform_indices = @transform_13, window_bounds = array<i64: 1, 2>}, {pipeline_mode = #tpu.pipeline_mode<synchronous>, transform_indices = @transform_14, window_bounds = array<i64: 64, 2>}, {pipeline_mode = #tpu.pipeline_mode<synchronous>, transform_indices = @transform_15, window_bounds = array<i64: 64, 2>}, {pipeline_mode = #tpu.pipeline_mode<synchronous>, transform_indices = @transform_16, window_bounds = array<i64: 64, 128>}]} {
    %get3A = arith.constant 0 : index
    %get3A_0 = arith.constant 0 : index
    %get3A_1 = vector.load %arg1[%get3A, %get3A_0] : memref<2048x128xf32, #tpu.memory_space<vmem>>, vector<2048x128xf32>
    %get3A_2 = arith.constant 0 : index
    %get3A_3 = arith.constant 0 : index
    %get3A_4 = vector.load %arg2[%get3A_2, %get3A_3] : memref<2048x128xf32, #tpu.memory_space<vmem>>, vector<2048x128xf32>
    %add3A = arith.addf %get3A_1, %get3A_4 : vector<2048x128xf32>
    %get3A_5 = arith.constant 0 : index
    %get3A_6 = arith.constant 0 : index
    %get3A_7 = vector.load %arg3[%get3A_5, %get3A_6] : memref<2048x128xf32, #tpu.memory_space<vmem>>, vector<2048x128xf32>
    %add3A_8 = arith.addf %add3A, %get3A_7 : vector<2048x128xf32>
    %get3A_9 = arith.constant 0 : index
    %get3A_10 = arith.constant 0 : index
    %get3A_11 = vector.load %arg4[%get3A_9, %get3A_10] : memref<1x128xf32, #tpu.memory_space<vmem>>, vector<1x128xf32>
    %mul3A = vector.broadcast %get3A_11 : vector<1x128xf32> to vector<2048x128xf32>
    %mul3A_12 = arith.mulf %add3A_8, %mul3A : vector<2048x128xf32>
    %get3A_13 = arith.constant 0 : index
    %get3A_14 = arith.constant 0 : index
    %get3A_15 = vector.load %arg5[%get3A_13, %get3A_14] : memref<1x128xf32, #tpu.memory_space<vmem>>, vector<1x128xf32>
    %add3A_16 = vector.broadcast %get3A_15 : vector<1x128xf32> to vector<2048x128xf32>
    %add3A_17 = arith.addf %mul3A_12, %add3A_16 : vector<2048x128xf32>
    %max3A = arith.constant 0.000000e+00 : f32
    %max3A_18 = vector.broadcast %max3A : f32 to vector<2048x128xf32>
    %max3A_19 = arith.maximumf %add3A_17, %max3A_18 : vector<2048x128xf32>
    %get3A_20 = arith.constant 0 : index
    %get3A_21 = arith.constant 0 : index
    %get3A_22 = vector.load %arg6[%get3A_20, %get3A_21] : memref<128x128xf32, #tpu.memory_space<vmem>>, vector<128x128xf32>
    %dot_general3A = arith.constant dense<0.000000e+00> : vector<2048x128xf32>
    %dot_general3A_23 = tpu.matmul %max3A_19, %get3A_22, %dot_general3A {dimension_numbers = #tpu.dot_dimension_numbers<[1], [0], [0], [1], [0, 0, 1, 1], [], []>, transpose_lhs_hint = false} : vector<2048x128xf32>, vector<128x128xf32>, vector<2048x128xf32> -> vector<2048x128xf32>
    %get3A_24 = arith.constant 0 : index
    %get3A_25 = arith.constant 0 : index
    %get3A_26 = vector.load %arg7[%get3A_24, %get3A_25] : memref<1x128xf32, #tpu.memory_space<vmem>>, vector<1x128xf32>
    %add3A_27 = vector.broadcast %get3A_26 : vector<1x128xf32> to vector<2048x128xf32>
    %add3A_28 = arith.addf %dot_general3A_23, %add3A_27 : vector<2048x128xf32>
    %max3A_29 = arith.constant 0.000000e+00 : f32
    %max3A_30 = vector.broadcast %max3A_29 : f32 to vector<2048x128xf32>
    %max3A_31 = arith.maximumf %add3A_28, %max3A_30 : vector<2048x128xf32>
    %eq3A = arith.constant 0 : i32
    %eq3A_32 = arith.cmpi eq, %arg0, %eq3A : i32
    %convert_element_type3A = arith.extui %eq3A_32 : i1 to i32
    %cond3A = arith.constant 0 : i32
    %cond3A_33 = arith.cmpi ne, %convert_element_type3A, %cond3A : i32
    scf.if %cond3A_33 {
      %broadcast_in_dim3A_63 = arith.constant 0.000000e+00 : f32
      %broadcast_in_dim3A_64 = vector.broadcast %broadcast_in_dim3A_63 : f32 to vector<64x128xf32>
      %swap3A_65 = arith.constant 0 : index
      %swap3A_66 = arith.constant 0 : index
      %swap3A_67 = vector.load %arg17[%swap3A_65, %swap3A_66] : memref<64x128xf32, #tpu.memory_space<vmem>>, vector<64x128xf32>
      tpu.vector_store %arg17[%swap3A_65, %swap3A_66], %broadcast_in_dim3A_64 {strides = array<i32>} : memref<64x128xf32, #tpu.memory_space<vmem>>, vector<64x128xf32>,
    } else {
    }
    %iota3A = tpu.iota {dimensions = array<i32: 0>} : vector<2048x1xi32>
    %mul3A_34 = arith.constant 2048 : i32
    %mul3A_35 = arith.muli %arg0, %mul3A_34 : i32
    %add3A_36 = vector.broadcast %mul3A_35 : i32 to vector<2048x1xi32>
    %add3A_37 = arith.addi %iota3A, %add3A_36 : vector<2048x1xi32>
    %lt3A = arith.constant 10000 : i32
    %lt3A_38 = vector.broadcast %lt3A : i32 to vector<2048x1xi32>
    %lt3A_39 = arith.cmpi slt, %add3A_37, %lt3A_38 : vector<2048x1xi32>
    %jit3A = arith.constant 0.000000e+00 : f32
    %broadcast_in_dim3A = vector.shape_cast %lt3A_39 : vector<2048x1xi1> to vector<2048x1xi1>
    %broadcast_in_dim3A_40 = vector.broadcast %broadcast_in_dim3A : vector<2048x1xi1> to vector<2048x128xi1>
    %broadcast_in_dim3A_41 = vector.broadcast %jit3A : f32 to vector<2048x128xf32>
    %select_n3A = arith.select %broadcast_in_dim3A_40, %max3A_31, %broadcast_in_dim3A_41 : vector<2048x128xi1>, vector<2048x128xf32>
    %iota3A_42 = tpu.iota {dimensions = array<i32: 0>} : vector<64x2048xi32>
    %get3A_43 = arith.constant 0 : index
    %get3A_44 = vector.load %arg8[%get3A_43] : memref<2048xi32, #tpu.memory_space<vmem>>, vector<2048xi32>
    %broadcast_in_dim3A_45 = vector.shape_cast %get3A_44 : vector<2048xi32> to vector<1x2048xi32>
    %eq3A_46 = vector.broadcast %broadcast_in_dim3A_45 : vector<1x2048xi32> to vector<64x2048xi32>
    %eq3A_47 = arith.cmpi eq, %iota3A_42, %eq3A_46 : vector<64x2048xi32>
    %convert_element_type3A_48 = arith.extui %eq3A_47 : vector<64x2048xi1> to vector<64x2048xi32>
    %convert_element_type3A_49 = arith.sitofp %convert_element_type3A_48 : vector<64x2048xi32> to vector<64x2048xf32>
    %get3A_50 = arith.constant 0 : index
    %get3A_51 = arith.constant 0 : index
    %get3A_52 = vector.load %arg17[%get3A_50, %get3A_51] : memref<64x128xf32, #tpu.memory_space<vmem>>, vector<64x128xf32>
    %dot_general3A_53 = arith.constant dense<0.000000e+00> : vector<64x128xf32>
    %dot_general3A_54 = tpu.matmul %convert_element_type3A_49, %select_n3A, %dot_general3A_53 {dimension_numbers = #tpu.dot_dimension_numbers<[1], [0], [0], [1], [0, 0, 1, 1], [], []>, transpose_lhs_hint = false} : vector<64x2048xf32>, vector<2048x128xf32>, vector<64x128xf32> -> vector<64x128xf32>
    %add3A_55 = arith.addf %get3A_52, %dot_general3A_54 : vector<64x128xf32>
    %swap3A = arith.constant 0 : index
    %swap3A_56 = arith.constant 0 : index
    %swap3A_57 = vector.load %arg17[%swap3A, %swap3A_56] : memref<64x128xf32, #tpu.memory_space<vmem>>, vector<64x128xf32>
    tpu.vector_store %arg17[%swap3A, %swap3A_56], %add3A_55 {strides = array<i32>} : memref<64x128xf32, #tpu.memory_space<vmem>>, vector<64x128xf32>,
    %eq3A_58 = arith.constant 4 : i32
    %eq3A_59 = arith.cmpi eq, %arg0, %eq3A_58 : i32
    %convert_element_type3A_60 = arith.extui %eq3A_59 : i1 to i32
    %cond3A_61 = arith.constant 0 : i32
    %cond3A_62 = arith.cmpi ne, %convert_element_type3A_60, %cond3A_61 : i32
    scf.if %cond3A_62 {
      %get3A_63 = arith.constant 0 : index
      %get3A_64 = arith.constant 0 : index
      %get3A_65 = vector.load %arg9[%get3A_63, %get3A_64] : memref<64x128xf32, #tpu.memory_space<vmem>>, vector<64x128xf32>
      %get3A_66 = arith.constant 0 : index
      %get3A_67 = arith.constant 0 : index
      %get3A_68 = vector.load %arg11[%get3A_66, %get3A_67] : memref<384x64xf32, #tpu.memory_space<vmem>>, vector<128x64xf32>
      %dot_general3A_69 = arith.constant dense<0.000000e+00> : vector<64x64xf32>
      %dot_general3A_70 = tpu.matmul %get3A_65, %get3A_68, %dot_general3A_69 {dimension_numbers = #tpu.dot_dimension_numbers<[1], [0], [0], [1], [0, 0, 1, 1], [], []>, transpose_lhs_hint = false} : vector<64x128xf32>, vector<128x64xf32>, vector<64x64xf32> -> vector<64x64xf32>
      %get3A_71 = arith.constant 0 : index
      %get3A_72 = arith.constant 0 : index
      %get3A_73 = vector.load %arg10[%get3A_71, %get3A_72] : memref<64x128xf32, #tpu.memory_space<vmem>>, vector<64x128xf32>
      %get3A_74 = arith.constant 128 : index
      %get3A_75 = arith.constant 0 : index
      %get3A_76 = vector.load %arg11[%get3A_74, %get3A_75] : memref<384x64xf32, #tpu.memory_space<vmem>>, vector<128x64xf32>
      %dot_general3A_77 = arith.constant dense<0.000000e+00> : vector<64x64xf32>
      %dot_general3A_78 = tpu.matmul %get3A_73, %get3A_76, %dot_general3A_77 {dimension_numbers = #tpu.dot_dimension_numbers<[1], [0], [0], [1], [0, 0, 1, 1], [], []>, transpose_lhs_hint = false} : vector<64x128xf32>, vector<128x64xf32>, vector<64x64xf32> -> vector<64x64xf32>
      %add3A_79 = arith.addf %dot_general3A_70, %dot_general3A_78 : vector<64x64xf32>
      %get3A_80 = arith.constant 0 : index
      %get3A_81 = arith.constant 0 : index
      %get3A_82 = vector.load %arg17[%get3A_80, %get3A_81] : memref<64x128xf32, #tpu.memory_space<vmem>>, vector<64x128xf32>
      %get3A_83 = arith.constant 256 : index
      %get3A_84 = arith.constant 0 : index
      %get3A_85 = vector.load %arg11[%get3A_83, %get3A_84] : memref<384x64xf32, #tpu.memory_space<vmem>>, vector<128x64xf32>
      %dot_general3A_86 = arith.constant dense<0.000000e+00> : vector<64x64xf32>
      %dot_general3A_87 = tpu.matmul %get3A_82, %get3A_85, %dot_general3A_86 {dimension_numbers = #tpu.dot_dimension_numbers<[1], [0], [0], [1], [0, 0, 1, 1], [], []>, transpose_lhs_hint = false} : vector<64x128xf32>, vector<128x64xf32>, vector<64x64xf32> -> vector<64x64xf32>
      %add3A_88 = arith.addf %add3A_79, %dot_general3A_87 : vector<64x64xf32>
      %get3A_89 = arith.constant 0 : index
      %get3A_90 = arith.constant 0 : index
      %get3A_91 = vector.load %arg12[%get3A_89, %get3A_90] : memref<1x64xf32, #tpu.memory_space<vmem>>, vector<1x64xf32>
      %add3A_92 = vector.broadcast %get3A_91 : vector<1x64xf32> to vector<64x64xf32>
      %add3A_93 = arith.addf %add3A_88, %add3A_92 : vector<64x64xf32>
      %max3A_94 = arith.constant 0.000000e+00 : f32
      %max3A_95 = vector.broadcast %max3A_94 : f32 to vector<64x64xf32>
      %max3A_96 = arith.maximumf %add3A_93, %max3A_95 : vector<64x64xf32>
      %get3A_97 = arith.constant 0 : index
      %get3A_98 = arith.constant 0 : index
      %get3A_99 = vector.load %arg13[%get3A_97, %get3A_98] : memref<64x2xf32, #tpu.memory_space<vmem>>, vector<64x2xf32>
      %dot_general3A_100 = arith.constant dense<0.000000e+00> : vector<64x2xf32>
      %dot_general3A_101 = tpu.matmul %max3A_96, %get3A_99, %dot_general3A_100 {dimension_numbers = #tpu.dot_dimension_numbers<[1], [0], [0], [1], [0, 0, 1, 1], [], []>, transpose_lhs_hint = false} : vector<64x64xf32>, vector<64x2xf32>, vector<64x2xf32> -> vector<64x2xf32>
      %get3A_102 = arith.constant 0 : index
      %get3A_103 = arith.constant 0 : index
      %get3A_104 = vector.load %arg14[%get3A_102, %get3A_103] : memref<1x2xf32, #tpu.memory_space<vmem>>, vector<1x2xf32>
      %add3A_105 = vector.broadcast %get3A_104 : vector<1x2xf32> to vector<64x2xf32>
      %add3A_106 = arith.addf %dot_general3A_101, %add3A_105 : vector<64x2xf32>
      %reduce_max3A = arith.constant dense<0xFF800000> : vector<64xf32>
      %reduce_max3A_107 = vector.multi_reduction <maximumf>, %add3A_106, %reduce_max3A [1] : vector<64x2xf32> to vector<64xf32>
      %broadcast_in_dim3A_108 = vector.shape_cast %reduce_max3A_107 : vector<64xf32> to vector<64x1xf32>
      %sub3A = vector.broadcast %broadcast_in_dim3A_108 : vector<64x1xf32> to vector<64x2xf32>
      %sub3A_109 = arith.subf %add3A_106, %sub3A : vector<64x2xf32>
      %exp3A = math.exp %sub3A_109 : vector<64x2xf32>
      %reduce_sum3A = arith.constant dense<0.000000e+00> : vector<64xf32>
      %reduce_sum3A_110 = vector.multi_reduction <add>, %exp3A, %reduce_sum3A [1] : vector<64x2xf32> to vector<64xf32>
      %broadcast_in_dim3A_111 = vector.shape_cast %reduce_sum3A_110 : vector<64xf32> to vector<64x1xf32>
      %log3A = math.log %broadcast_in_dim3A_111 : vector<64x1xf32>
      %sub3A_112 = vector.broadcast %log3A : vector<64x1xf32> to vector<64x2xf32>
      %sub3A_113 = arith.subf %sub3A_109, %sub3A_112 : vector<64x2xf32>
      %swap3A_114 = arith.constant 0 : index
      %swap3A_115 = arith.constant 0 : index
      %swap3A_116 = vector.load %arg15[%swap3A_114, %swap3A_115] : memref<64x2xf32, #tpu.memory_space<vmem>>, vector<64x2xf32>
      tpu.vector_store %arg15[%swap3A_114, %swap3A_115], %add3A_106 {strides = array<i32>} : memref<64x2xf32, #tpu.memory_space<vmem>>, vector<64x2xf32>,
      %swap3A_117 = arith.constant 0 : index
      %swap3A_118 = arith.constant 0 : index
      %swap3A_119 = vector.load %arg16[%swap3A_117, %swap3A_118] : memref<64x2xf32, #tpu.memory_space<vmem>>, vector<64x2xf32>
      tpu.vector_store %arg16[%swap3A_117, %swap3A_118], %sub3A_113 {strides = array<i32>} : memref<64x2xf32, #tpu.memory_space<vmem>>, vector<64x2xf32>,
    } else {
    }
    return
  }
  func.func @transform_0(%arg0: i32) -> (i32, i32) {
    %c0_i32 = arith.constant 0 : i32
    %c0_i32_0 = arith.constant 0 : i32
    return %arg0, %c0_i32 : i32, i32
  }
  func.func @transform_1(%arg0: i32) -> (i32, i32) {
    %c0_i32 = arith.constant 0 : i32
    %c0_i32_0 = arith.constant 0 : i32
    return %arg0, %c0_i32 : i32, i32
  }
  func.func @transform_2(%arg0: i32) -> (i32, i32) {
    %add3A = arith.constant 5 : i32
    %add3A_0 = arith.addi %arg0, %add3A : i32
    %c0_i32 = arith.constant 0 : i32
    %c0_i32_1 = arith.constant 0 : i32
    return %add3A_0, %c0_i32 : i32, i32
  }
  func.func @transform_3(%arg0: i32) -> (i32, i32) {
    %c0_i32 = arith.constant 0 : i32
    %c0_i32_0 = arith.constant 0 : i32
    %c0_i32_1 = arith.constant 0 : i32
    return %c0_i32, %c0_i32_0 : i32, i32
  }
  func.func @transform_4(%arg0: i32) -> (i32, i32) {
    %c0_i32 = arith.constant 0 : i32
    %c0_i32_0 = arith.constant 0 : i32
    %c0_i32_1 = arith.constant 0 : i32
    return %c0_i32, %c0_i32_0 : i32, i32
  }
  func.func @transform_5(%arg0: i32) -> (i32, i32) {
    %c0_i32 = arith.constant 0 : i32
    %c0_i32_0 = arith.constant 0 : i32
    %c0_i32_1 = arith.constant 0 : i32
    return %c0_i32, %c0_i32_0 : i32, i32
  }
  func.func @transform_6(%arg0: i32) -> (i32, i32) {
    %c0_i32 = arith.constant 0 : i32
    %c0_i32_0 = arith.constant 0 : i32
    %c0_i32_1 = arith.constant 0 : i32
    return %c0_i32, %c0_i32_0 : i32, i32
  }
  func.func @transform_7(%arg0: i32) -> i32 {
    %c0_i32 = arith.constant 0 : i32
    return %arg0 : i32
  }
  func.func @transform_8(%arg0: i32) -> (i32, i32) {
    %c0_i32 = arith.constant 0 : i32
    %c0_i32_0 = arith.constant 0 : i32
    %c0_i32_1 = arith.constant 0 : i32
    return %c0_i32, %c0_i32_0 : i32, i32
  }
  func.func @transform_9(%arg0: i32) -> (i32, i32) {
    %c0_i32 = arith.constant 0 : i32
    %c0_i32_0 = arith.constant 0 : i32
    %c0_i32_1 = arith.constant 0 : i32
    return %c0_i32, %c0_i32_0 : i32, i32
  }
  func.func @transform_10(%arg0: i32) -> (i32, i32) {
    %c0_i32 = arith.constant 0 : i32
    %c0_i32_0 = arith.constant 0 : i32
    %c0_i32_1 = arith.constant 0 : i32
    return %c0_i32, %c0_i32_0 : i32, i32
  }
  func.func @transform_11(%arg0: i32) -> (i32, i32) {
    %c0_i32 = arith.constant 0 : i32
    %c0_i32_0 = arith.constant 0 : i32
    %c0_i32_1 = arith.constant 0 : i32
    return %c0_i32, %c0_i32_0 : i32, i32
  }
  func.func @transform_12(%arg0: i32) -> (i32, i32) {
    %c0_i32 = arith.constant 0 : i32
    %c0_i32_0 = arith.constant 0 : i32
    %c0_i32_1 = arith.constant 0 : i32
    return %c0_i32, %c0_i32_0 : i32, i32
  }
  func.func @transform_13(%arg0: i32) -> (i32, i32) {
    %c0_i32 = arith.constant 0 : i32
    %c0_i32_0 = arith.constant 0 : i32
    %c0_i32_1 = arith.constant 0 : i32
    return %c0_i32, %c0_i32_0 : i32, i32
  }
  func.func @transform_14(%arg0: i32) -> (i32, i32) {
    %c0_i32 = arith.constant 0 : i32
    %c0_i32_0 = arith.constant 0 : i32
    %c0_i32_1 = arith.constant 0 : i32
    return %c0_i32, %c0_i32_0 : i32, i32
  }
  func.func @transform_15(%arg0: i32) -> (i32, i32) {
    %c0_i32 = arith.constant 0 : i32
    %c0_i32_0 = arith.constant 0 : i32
    %c0_i32_1 = arith.constant 0 : i32
    return %c0_i32, %c0_i32_0 : i32, i32
  }
  func.func @transform_16(%arg0: i32) -> (i32, i32) {
    %c0_i32 = arith.constant 0 : i32
    %c0_i32_0 = arith.constant 0 : i32
    %c0_i32_1 = arith.constant 0 : i32
    return %c0_i32, %c0_i32_0 : i32, i32
  }
}

</mosaic_0001>

<sc_bundles>
// kernel: kernel.12.cloned.1.call-start
scs
__scs_entry_jumppad:
0x0: {  	(pc) =	sbr.rel $0x88, $3  }
0x1: {  	(tag) =	ssettag $0x0;
	lr =	simm.s32 $0x1  }
0x2: {  	[smem:$0x3F88] =	sst lr;
	_ =	strace $0xD0000000  }
0x3: {  	_ = 	snop  }
0x4: {  	_ = 	snop  }
0x5: {  	_ = 	snop  }
0x6: {  	_ = 	snop  }
0x7: {  	_ = 	snop  }
__scs_overlays_trampoline_lowered:
0x8: {  	[smem:$0x3F97] =	sst s0  }
0x9: {  	[smem:$0x3F98] =	sst s1  }
0xa: {  	[smem:$0x3F99] =	sst s2  }
0xb: {  	[smem:$0x3F9A] =	sst s3  }
0xc: {  	[smem:$0x3F9B] =	sst s4  }
0xd: {  	[smem:$0x3F9C] =	sst s5  }
0xe: {  	[smem:$0x3F9D] =	sst s6  }
0xf: {  	[smem:$0x3F9E] =	sst s7  }
0x10: {  	[smem:$0x3F9F] =	sst s8  }
0x11: {  	[smem:$0x3FA0] =	sst s9;
	s0 =	simm.s32 @!p0 $0x0  }
0x12: {  	s1 =	sld [smem:$0x3F86];
	s0 =	simm.s32 @p0 $0x1  }
0x13: {  	[smem:$0x3FA1] =	sst s0;
	s0 =	simm.s32 @!p1 $0x0  }
0x14: {  	s2 =	sld [smem:$0x3F85];
	s0 =	simm.s32 @p1 $0x1  }
0x15: {  	[smem:$0x3FA2] =	sst s0;
	s0 =	simm.s32 @!p2 $0x0  }
0x16: {  	s3 =	sld [smem:$0x3FDB];
	s0 =	simm.s32 @p2 $0x1  }
0x17: {  	s4 =	simm.s32 $0x1BF5;
	[smem:$0x3FA4] =	sst s0  }
0x18: {  	s0 =	sld [smem:$0x3F87];
	_ =	swait.ge [sflag:s4], $0x0  }
0x19: {  	s7 =	sld [smem:$0x3F88]  }
0x1a: {  	s8 =	sadd.s32 $0xFFFFE003, lr  }
0x1b: {  	s9 =	sadd.s32 $0xFFFFFEF7, lr;
	s5 =	simm.s32 $0xFFFFFFFF;
	p2 =	slt.u32 s8, $0xFFFFF086  }
0x1c: {  	p1 =	slt.u32 s9, $0xF7A;
	s5 =	simm.s32 @!p2 $0x0  }
0x1d: {  	s5 =	simm.s32 @p1 $0x1;
	p0 =	seq.s32 s7, s2  }
0x1e: {  	s7 =	smul.u32 @!p0 $0xF7A, s2;
	p2 =	seq.s32 @!p0 s5, $0x0  }
0x1f: {  	s9 =	smul.u32 $0xF7A, s1;
	s8 =	simm.s32 @!p0 $0x1BF5;
	p2 =	por !p2, p0  }
0x20: {  	[sflag:s8] =	ssyncset.s32 @!p0 $0xFFFFF086;
	s6 =	sadd.s32 @!p0 s3, s7;
	s7 =	simm.s32 @!p0 $0x108  }
0x21: {  	s3 =	sadd.s32 s3, s9;
	s6 =	sadd.s32 @!p0 $0x88, s6;
	s7 =	simm.s32 @p2 $0x1082  }
0x22: {  	[simem:s7], [sflag:s8] =	dma.local @!p0 [hbm:s6], $0xF7A  }
0x23: {  	s9 =	sor.u32 $0xD0000000, s2;
	s6 =	simm.s32 $0x108;
	_ =	swait.ge @!p0 [sflag:s8], $0x0  }
0x24: {  	s3 =	sadd.s32 $0x88, s3;
	s6 =	simm.s32 @!p1 $0x1082;
	[sflag:s4] =	ssyncset.s32 $0xFFFFF086  }
0x25: {  	[simem:s6], [sflag:s4] =	dma.local [hbm:s3], $0xF7A  }
0x26: {  	[smem:$0x3F88] =	sst s1;
	(tag) =	ssettag s2;
	_ =	strace s9  }
0x27: {  	s1 =	sld [smem:$0x3F98]  }
0x28: {  	s2 =	sld [smem:$0x3F99]  }
0x29: {  	s4 =	sld [smem:$0x3F9B]  }
0x2a: {  	p0 =	seq.s32 s5, $0x0;
	s5 =	sld [smem:$0x3F9C]  }
0x2b: {  	s6 =	sld [smem:$0x3F9D]  }
0x2c: {  	s7 =	sld [smem:$0x3F9E]  }
0x2d: {  	s3 =	simm.s32 $0x108;
	s8 =	sld [smem:$0x3F9F]  }
0x2e: {  	s3 =	simm.s32 @!p0 $0x1082;
	s9 =	sld [smem:$0x3FA0]  }
0x2f: {  	lr =	sadd.s32 s0, s3;
	s0 =	sld [smem:$0x3F97]  }
0x30: {  	s3 =	sld [smem:$0x3F9A]  }
0x31: {  	[smem:$0x3FA3] =	sst s10  }
0x32: {  	s10 =	sld [smem:$0x3FA1];
	_ =	sdelay $0x3  }
0x33: {  	p0 =	seq.s32 s10, $0x1;
	s10 =	sld [smem:$0x3FA3];
	_ =	sdelay $0x3  }
0x34: {  	[smem:$0x3FA3] =	sst s10  }
0x35: {  	s10 =	sld [smem:$0x3FA2];
	_ =	sdelay $0x3  }
0x36: {  	p1 =	seq.s32 s10, $0x1;
	s10 =	sld [smem:$0x3FA3];
	_ =	sdelay $0x3  }
0x37: {  	[smem:$0x3FA3] =	sst s10  }
0x38: {  	s10 =	sld [smem:$0x3FA4]  }
0x39: {  	_ = 	snop;
	(pc) =	sbr.ind lr, $3  }
0x3a: {  	_ = 	snop  }
0x3b: {  	_ = 	snop  }
0x3c: {  	p2 =	seq.s32 s10, $0x1;
	s10 =	sld [smem:$0x3FA3]  }
0x3d: {  	_ =	shalt  }
0x3e: {  	_ =	shalt  }
0x3f: {  	_ =	shalt  }
0x40: {  	_ =	shalt  }
0x41: {  	_ =	shalt  }
0x42: {  	_ =	shalt  }
0x43: {  	_ =	shalt  }
0x44: {  	_ =	shalt  }
0x45: {  	_ =	shalt  }
0x46: {  	_ =	shalt  }
0x47: {  	_ =	shalt  }
0x48: {  	_ =	shalt  }
0x49: {  	_ =	shalt  }
0x4a: {  	_ =	shalt  }
0x4b: {  	_ =	shalt  }
0x4c: {  	_ =	shalt  }
0x4d: {  	_ =	shalt  }
0x4e: {  	_ =	shalt  }
0x4f: {  	_ =	shalt  }
0x50: {  	_ =	shalt  }
0x51: {  	_ =	shalt  }
0x52: {  	_ =	shalt  }
0x53: {  	_ =	shalt  }
0x54: {  	_ =	shalt  }
0x55: {  	_ =	shalt  }
0x56: {  	_ =	shalt  }
0x57: {  	_ =	shalt  }
0x58: {  	_ =	shalt  }
0x59: {  	_ =	shalt  }
0x5a: {  	_ =	shalt  }
0x5b: {  	_ =	shalt  }
0x5c: {  	_ =	shalt  }
0x5d: {  	_ =	shalt  }
0x5e: {  	_ =	shalt  }
0x5f: {  	_ =	shalt  }
0x60: {  	_ =	shalt  }
0x61: {  	_ =	shalt  }
0x62: {  	_ =	shalt  }
0x63: {  	_ =	shalt  }
0x64: {  	_ =	shalt  }
0x65: {  	_ =	shalt  }
0x66: {  	_ =	shalt  }
0x67: {  	_ =	shalt  }
0x68: {  	_ =	shalt  }
0x69: {  	_ =	shalt  }
0x6a: {  	_ =	shalt  }
0x6b: {  	_ =	shalt  }
0x6c: {  	_ =	shalt  }
0x6d: {  	_ =	shalt  }
0x6e: {  	_ =	shalt  }
0x6f: {  	_ =	shalt  }
0x70: {  	_ =	shalt  }
0x71: {  	_ =	shalt  }
0x72: {  	_ =	shalt  }
0x73: {  	_ =	shalt  }
0x74: {  	_ =	shalt  }
0x75: {  	_ =	shalt  }
0x76: {  	_ =	shalt  }
0x77: {  	_ =	shalt  }
0x78: {  	_ =	shalt  }
0x79: {  	_ =	shalt  }
0x7a: {  	_ =	shalt  }
0x7b: {  	_ =	shalt  }
0x7c: {  	_ =	shalt  }
0x7d: {  	_ =	shalt  }
0x7e: {  	_ =	shalt  }
0x7f: {  	_ =	shalt  }
0x80: {  	_ =	shalt  }
0x81: {  	_ =	shalt  }
0x82: {  	_ =	shalt  }
0x83: {  	_ =	shalt  }
0x84: {  	_ =	shalt  }
0x85: {  	_ =	shalt  }
0x86: {  	_ =	shalt  }
0x87: {  	_ =	shalt  }
.Lfunc_end0:
.L_simem_size_0:
called_computation.1_lowered:
.L_overlay_start_0:
0x88: {  	s2 =	sld [smem:$0x3FD9]  }
0x89: {  	s3 =	sld [smem:$0x3FFE];
	_ =	sdelay $0x1  }
0x8a: {  	s1 =	srdreg.scid  }
0x8b: {  	s0 =	sand.u32 $0x1, s1  }
0x8c: {  	s16 =	sshll.u32 s0, $0xA;
	s2 =	sadd.s32 s3, s2  }
0x8d: {  	s2 =	sadd.s32 s2, s16  }
0x8e: {  	[smem:$0x3FAF] =	sst s2  }
0x8f: {  	_ = 	snop  }
0x90: {  	(tm) =	ssettm $0x1  }
0x91: {  	s17 =	sld [smem:$0x3FFB];
	_ =	sdelay $0x3  }
0x92: {  	_ =	strace s17  }
0x93: {  	s2 =	sld [smem:$0x3FFC];
	_ =	sdelay $0x3  }
0x94: {  	_ =	strace s2  }
0x95: {  	s2 =	sld [smem:$0x3FFD];
	_ =	sdelay $0x3  }
0x96: {  	_ =	strace s2  }
0x97: {  	_ =	strace $0x8FFFFFFF  }
0x98: {  	s18 =	sld [smem:$0x3FDB];
	_ =	sdelay $0x1  }
0x99: {  	s19 =	simm.s32 $_scs_section_size  }
0x9a: {  	s4 =	simm.s32 $_size__tile_overlayer_lowered;
	s5 =	simm.s32 $_tile_overlayer_lowered  }
0x9b: {  	s22 =	simm.s32 $0x1BFF;
	s21 =	sshll.u32 s5, $0x1;
	s2 =	sadd.s32 s19, s18  }
0x9c: {  	s6 =	simm.s32 $0x0;
	s20 =	sshll.u32 s4, $0x1;
	s4 =	sadd.s32 s21, s2  }
0x9d: {  	[timem:s6], [sflag:s22] =	dma.local [hbm:s4], s20  }
0x9e: {  	_ =	swait.ge [sflag:s22], s20  }
0x9f: {  	s3 =	ssub.s32 $0x0, s20;
	[sflag:s22] =	ssyncset.done $0x0  }
0xa0: {  	[sflag:s22] =	ssyncadd.s32 s3;
	_ =	sdelay $0x1  }
0xa1: {  	s23 =	simm.s32 $0x1B8B  }
0xa2: {  	_ =	swait.ge [sflag:s23], $0x1  }
0xa3: {  	[sflag:s23] =	ssyncset.done $0x0  }
0xa4: {  	s25 =	simm.s32 $0x1B8E;
	s24 =	sld [smem:$0x3FFE];
	[sflag:s23] =	ssyncadd.s32 $0xFFFFFFFF  }
0xa5: {  	s26 =	simm.s32 $execute0_lowered;
	[smem:$0x3FD2] =	sst s25  }
0xa6: {  	s4 =	sshll.u32 s26, $0x1;
	_ =	strace $0x80000049;
	[dreg:$0x1] =	wrdreg $0xFFFFFFFF  }
0xa7: {  	s28 =	simm.s32 $_size_execute0_lowered;
	s2 =	sadd.s32 s2, s4;
	[dreg:$0x0] =	wrdreg $0x0  }
0xa8: {  	s4 =	sshll.u32 s28, $0x1;
	[dreg:$0x2] =	wrdreg s2  }
0xa9: {  	[dreg:$0x3] =	wrdreg s4  }
0xaa: {  	[dreg:$0x4] =	wrdreg $0xC0  }
0xab: {  	_ =	task [dreg:s6], $0x5FFFF  }
0xac: {  	[dreg:$0x1] =	wrdreg $0xFFFFFFFF  }
0xad: {  	[dreg:$0x0] =	wrdreg $0x60  }
0xae: {  	[dreg:$0x2] =	wrdreg s24  }
0xaf: {  	[dreg:$0x3] =	wrdreg $0xB0000  }
0xb0: {  	[dreg:$0x4] =	wrdreg $0x9  }
0xb1: {  	_ =	task.clear_ibuf [dreg:s6], $0x5FFFF;
	_ =	strace $0x90000049  }
0xb2: {  	s29 =	simm.s32 $0x9;
	_ =	strace $0x8000004B  }
0xb3: {  	_ =	swait.ge [sflag:s29], $0x1  }
0xb4: {  	[sflag:s29] =	ssyncadd.s32 $0xFFFFFFFF  }
0xb5: {  	_ =	strace $0x9000004B  }
0xb6: {  	_ =	sfence  }
0xb7: {  	s30 =	sld [smem:$0x0];
	_ =	sdelay $0x2  }
0xb8: {  	s31 =	sshll.u32 s1, $0xD;
	s1 =	sshrl.u32 s1, $0x2  }
0xb9: {  	s3 =	sand.u32 $0x4000, s31;
	s1 =	sadd.s32 s1, s30  }
0xba: {  	s0 =	sor.u32 s3, s0;
	s1 =	sshll.u32 s1, $0x11  }
0xbb: {  	s0 =	sor.u32 s1, s0  }
0xbc: {  	s0 =	sadd.s32 $0x8F2B, s0  }
0xbd: {  	[sflag:s0] =	ssyncadd.remote.s32 $0x1  }
0xbe: {  	_ =	sfence.sel $0xFFFF  }
0xbf: {  	[dreg:$0x0] =	wrdreg $0xFFFFFFFF;
	(pc) =	sbr.abs _section_cstart, $3  }
0xc0: {  	[dreg:$0x1] =	wrdreg $0xFFFFFFFF  }
0xc1: {  	_ =	task.clear_ibuf [dreg:s6], $0x2FFFF;
	_ =	strace $0x9FFFFFFF  }
0xc2: {  	(tm) =	ssettm $0x7FFFFFFF  }
0xc3: {  	_ =	shalt  }
tec
execute0_lowered:
.L_overlay_start_1:
0x0: {  	(tag) =	ssettag $0x1  }
0x1: {  	s0 =	srdreg.scid;
	s6 =	rddreg [dreg:$0x0]  }
0x2: {  	s2 =	rddreg [dreg:$0x1];
	s3 =	simm.s32 $0x0;
	s11 =	simm.s32 $0x7D  }
0x3: {  	s12 =	simm.s32 $0x2800;
	s13 =	simm.s32 $0x80;
	s14 =	simm.s32 $0x6800  }
0x4: {  	s15 =	simm.s32 $0x1400;
	s16 =	simm.s32 $0xA800;
	s17 =	simm.s32 $0x1  }
0x5: {  	s18 =	simm.s32 $0x2;
	s19 =	simm.s32 $0x2700;
	s5 =	sand.u32 $0x1, s0  }
0x6: {  	s20 =	simm.s32 $0x2780;
	s0 =	stileid.u32;
	s8 =	smul.u32 $0x28000, s5  }
0x7: {  	s21 =	simm.s32 $0x0;
	[smem:$0x7FF] =	sst s3;
	s9 =	smul.u32 $0x2800, s0  }
0x8: {  	s1 =	sshll.u32 s5, $0x4;
	s5 =	ssub.s32 $0x2, s5;
	s10 =	smul.u32 $0x50000, s0  }
0x9: {  	s4 =	sor.u32 s0, s1;
	s1 =	rddreg [dreg:$0x2];
	_ =	strace $0x8000004A  }
0xa: {  	s30 =	sshrl.u32 s5, $0x1;
	s7 =	smul.u32 $0x1400, s4;
	s4 =	sadd.s32 $0xF800, s6  }
0xb: {  	s8 =	sadd.s32 s9, s8;
	s9 =	ssub.s32 s5, s30;
	s31 =	sshrl.u32 s10, $0x2  }
0xc: {  	s10 =	simm.s32 $0x3;
	s8 =	sadd.s32 s8, s6;
	s7 =	sshrl.u32 s7, $0x3  }
0xd: {  	s9 =	smax.u32 s9, $0x1;
	s8 =	sadd.s32 $0x36A00, s8;
	s7 =	sadd.s32 s7, s6  }
0xe: {  	v0 =	vimm.f32 $0.0e+00;
	s5 =	sadd.s32 $0x5800, s7;
	s6 =	sadd.s32 $0xA800, s7;
	s7 =	sadd.s32 s31, s2  }
.LBB2_1:
0xf: {  	[tilespmem:s3], [sflag:$0x3] =	stream.linear.gather [hbm4b:s5+s3], $0x1400, $0x38;
	[tilespmem:$0x1F000] =	vst v63  }
0x10: {  	_ =	swait.ge [sflag:s10], $0x1400  }
0x11: {  	[sflag:s10] =	ssyncset.done $0x0  }
0x12: {  	[sflag:s10] =	ssyncadd.s32 $0xFFFFEC00  }
0x13: {  	[tilespmem:s12], [sflag:$0x1] =	stream.indirect.gather [hbm4b:s4+s11], $0x80, s3, s11, $0xb8;
	[tilespmem:$0x1F000] =	vst v63  }
0x14: {  	_ = 	snop  }
0x15: {  	[tilespmem:s14], [sflag:$0x2] =	stream.indirect.gather [hbm4b:s4+s11], $0x80, s13, s11, $0xb8;
	[tilespmem:$0x1F000] =	vst v63  }
0x16: {  	_ = 	snop  }
0x17: {  	[tilespmem:s15], [sflag:$0x3] =	stream.linear.gather [hbm4b:s6+s3], $0x1400, $0x38;
	[tilespmem:$0x1F000] =	vst v63  }
0x18: {  	_ =	swait.ge [sflag:s10], $0x1400  }
0x19: {  	[sflag:s10] =	ssyncset.done $0x0  }
0x1a: {  	s22 =	simm.s32 $0x0;
	s23 =	simm.s32 $0x0;
	[sflag:s10] =	ssyncadd.s32 $0xFFFFEC00  }
.LBB2_2:
0x1b: {  	p0 =	sne.s32 s23, $0x1FC0  }
.Ltmp0:
0x1c: {  	_ = 	snop;
	(pc) =	sbr.rel @p0 .LBB2_2-.Ltmp0, $4  }
0x1d: {  	s24 =	sand.u32 $0x1E00, s23  }
0x1e: {  	s25 =	sand.u32 $0x70, s22;
	s24 =	sshrl.u32 s24, $0x2  }
0x1f: {  	s24 =	sor.u32 s25, s24  }
0x20: {  	s22 =	sadd.s32 $0x10, s22;
	s23 =	sadd.s32 $0x40, s23;
	[tilespmem:s24+$0xA800] =	vst v0  }
0x21: {  	s22 =	sadd.s32 $0x0, s7  }
0x22: {  	[spmem:s22] =	stream.linear.scatter [tilespmem:s16], [sflag:$0x3], $0x800, $0x38;
	[tilespmem:$0x1F000] =	vst v63  }
0x23: {  	s22 =	simm.s32 $0x2000;
	_ =	swait.ge [sflag:s10], $0x800  }
.LBB2_4:
0x24: {  	s23 =	sshra.s32 s22, $0x2;
	[sflag:s10] =	ssyncset.done $0x0;
	p0 =	sne.s32 s22, $0x4E000  }
.Ltmp1:
0x25: {  	s23 =	sadd.s32 s23, s7;
	[sflag:s10] =	ssyncadd.s32 $0xFFFFF800;
	(pc) =	sbr.rel @p0 .LBB2_4-.Ltmp1, $3  }
0x26: {  	[spmem:s23] =	stream.linear.scatter [tilespmem:s16], [sflag:$0x3], $0x800, $0x38;
	[tilespmem:$0x1F000] =	vst v63  }
0x27: {  	s22 =	sadd.s32 $0x2000, s22;
	_ =	sdelay $0x1  }
0x28: {  	_ =	swait.ge [sflag:s10], $0x800  }
0x29: {  	[sflag:s10] =	ssyncset.done $0x0  }
0x2a: {  	[sflag:s10] =	ssyncadd.s32 $0xFFFFF800  }
0x2b: {  	[bflag:$0x0] =	sbarrier.arrive $0xFFFF  }
0x2c: {  	_ =	swait.ge [sflag:s17], $0x3E80  }
0x2d: {  	[sflag:s17] =	ssyncset.done $0x0  }
0x2e: {  	s22 =	simm.s32 $0x1400;
	[sflag:s17] =	ssyncadd.s32 $0xFFFFC180  }
0x2f: {  	[spmem:s2] =	stream.indirect.scatter.add.f32 [tilespmem:s12], [sflag:$0x3], $0x80, s22, s11, $0xb8;
	[tilespmem:$0x1F000] =	vst v63  }
0x30: {  	_ =	swait.ge [sflag:s10], $0x3E80  }
0x31: {  	[sflag:s10] =	ssyncset.done $0x0  }
0x32: {  	s30 =	simm.s32 $0x100;
	[sflag:s10] =	ssyncadd.s32 $0xFFFFC180  }
0x33: {  	[tilespmem:s12], [sflag:$0x1] =	stream.indirect.gather [hbm4b:s4+s11], $0x80, s30, s11, $0xb8;
	[tilespmem:$0x1F000] =	vst v63  }
0x34: {  	_ =	swait.ge [sflag:s18], $0x3E80  }
0x35: {  	[sflag:s18] =	ssyncset.done $0x0  }
0x36: {  	s31 =	simm.s32 $0x1480;
	[sflag:s18] =	ssyncadd.s32 $0xFFFFC180  }
0x37: {  	[spmem:s2] =	stream.indirect.scatter.add.f32 [tilespmem:s14], [sflag:$0x3], $0x80, s31, s11, $0xb8;
	[tilespmem:$0x1F000] =	vst v63  }
0x38: {  	_ =	swait.ge [sflag:s10], $0x3E80  }
0x39: {  	[sflag:s10] =	ssyncset.done $0x0  }
0x3a: {  	s23 =	simm.s32 $0x180;
	s22 =	simm.s32 $0x400;
	[sflag:s10] =	ssyncadd.s32 $0xFFFFC180  }
.LBB2_6:
0x3b: {  	[tilespmem:s14], [sflag:$0x2] =	stream.indirect.gather [hbm4b:s4+s11], $0x80, s23, s11, $0xb8;
	[tilespmem:$0x1F000] =	vst v63  }
0x3c: {  	s23 =	smov.u32 s22  }
0x3d: {  	p0 =	sne.s32 s22, $0x4800;
	s22 =	sadd.s32 $0x400, s22;
	_ =	swait.ge [sflag:s17], $0x3E80  }
0x3e: {  	s23 =	sshra.s32 s23, $0x2;
	[sflag:s17] =	ssyncset.done $0x0  }
0x3f: {  	s24 =	sadd.s32 $0x1400, s23;
	[sflag:s17] =	ssyncadd.s32 $0xFFFFC180  }
0x40: {  	[spmem:s2] =	stream.indirect.scatter.add.f32 [tilespmem:s12], [sflag:$0x3], $0x80, s24, s11, $0xb8;
	[tilespmem:$0x1F000] =	vst v63  }
0x41: {  	_ =	swait.ge [sflag:s10], $0x3E80  }
0x42: {  	[sflag:s10] =	ssyncset.done $0x0  }
0x43: {  	s24 =	sadd.s32 $0x100, s23;
	[sflag:s10] =	ssyncadd.s32 $0xFFFFC180  }
0x44: {  	[tilespmem:s12], [sflag:$0x1] =	stream.indirect.gather [hbm4b:s4+s11], $0x80, s24, s11, $0xb8;
	[tilespmem:$0x1F000] =	vst v63  }
0x45: {  	_ =	swait.ge [sflag:s18], $0x3E80  }
0x46: {  	[sflag:s18] =	ssyncset.done $0x0  }
.Ltmp2:
0x47: {  	s24 =	sadd.s32 $0x1480, s23;
	[sflag:s18] =	ssyncadd.s32 $0xFFFFC180;
	(pc) =	sbr.rel @p0 .LBB2_6-.Ltmp2, $4  }
0x48: {  	[spmem:s2] =	stream.indirect.scatter.add.f32 [tilespmem:s14], [sflag:$0x3], $0x80, s24, s11, $0xb8;
	[tilespmem:$0x1F000] =	vst v63  }
0x49: {  	_ =	swait.ge [sflag:s10], $0x3E80  }
0x4a: {  	[sflag:s10] =	ssyncset.done $0x0  }
0x4b: {  	s23 =	sadd.s32 $0x180, s23;
	[sflag:s10] =	ssyncadd.s32 $0xFFFFC180  }
0x4c: {  	[tilespmem:s14], [sflag:$0x2] =	stream.indirect.gather [hbm4b:s4+s11], $0x80, s23, s11, $0xb8;
	[tilespmem:$0x1F000] =	vst v63  }
0x4d: {  	_ =	swait.ge [sflag:s17], $0x3E80  }
0x4e: {  	[sflag:s17] =	ssyncset.done $0x0  }
0x4f: {  	[sflag:s17] =	ssyncadd.s32 $0xFFFFC180  }
0x50: {  	[spmem:s2] =	stream.indirect.scatter.add.f32 [tilespmem:s12], [sflag:$0x3], $0x80, s19, s11, $0xb8;
	[tilespmem:$0x1F000] =	vst v63  }
0x51: {  	_ =	swait.ge [sflag:s10], $0x3E80  }
0x52: {  	[sflag:s10] =	ssyncset.done $0x0  }
0x53: {  	[sflag:s10] =	ssyncadd.s32 $0xFFFFC180  }
0x54: {  	_ =	swait.ge [sflag:s18], $0x3E80  }
0x55: {  	[sflag:s18] =	ssyncset.done $0x0  }
0x56: {  	[sflag:s18] =	ssyncadd.s32 $0xFFFFC180  }
0x57: {  	[spmem:s2] =	stream.indirect.scatter.add.f32 [tilespmem:s14], [sflag:$0x3], $0x80, s20, s11, $0xb8;
	[tilespmem:$0x1F000] =	vst v63  }
0x58: {  	_ =	swait.ge [sflag:s10], $0x3E80  }
0x59: {  	s22 =	sshll.u32 s0, $0x6;
	s21 =	sadd.s32 $0x1, s21;
	[sflag:s10] =	ssyncset.done $0x0  }
0x5a: {  	s31 =	sshrl.u32 s7, $0x3;
	p0 =	sne.s32 s21, s9;
	[sflag:s10] =	ssyncadd.s32 $0xFFFFC180  }
.Ltmp3:
0x5b: {  	s22 =	sor.u32 $0x1C03, s22;
	[bflag:$0x0] =	sbarrier.arrive $0xFFFF;
	(pc) =	sbr.rel @p0 .LBB2_1-.Ltmp3, $4  }
0x5c: {  	[hbm:s8], [sflag:s22] =	dma.local [spmem:s31], $0x2800  }
0x5d: {  	_ =	swait.ge [sflag:s10], $0x2800  }
0x5e: {  	[sflag:s10] =	ssyncset.done $0x0  }
0x5f: {  	[sflag:s10] =	ssyncadd.s32 $0xFFFFD800  }
0x60: {  	_ =	sfence.sel $0x180000  }
0x61: {  	[bflag:$0x0] =	sbarrier.arrive $0xFFFF  }
0x62: {  	p0 =	sne.s32 s0, $0x0;
	_ =	strace $0x9000004A  }
0x63: {  	s0 =	sadd.s32 @!p0 $0x100000, s1;
	[bflag:$0x2] =	sbarrier.arrive $0xFFFF  }
0x64: {  	[sflag:s0] =	ssyncadd.tile.s32 @!p0 $0x1;
	_ =	shalt  }
.Lfunc_end2:
_tile_overlayer_lowered:
.L_overlay_start_2:
0x65: {  	(tag) =	ssettag $0x2  }
0x66: {  	s0 =	rddreg [dreg:$0x0];
	s2 =	stileid.u32  }
0x67: {  	s1 =	rddreg [dreg:$0x1];
	p0 =	sne.s32 s2, $0x0  }
0x68: {  	s3 =	rddreg [dreg:$0x2];
	[bflag:$0x3] =	sbarrier.arrive $0xFFFF;
	s2 =	simm.s32 @!p0 $0x1C03  }
0x69: {  	[timem:s3], [sflag:s2] =	dma.local @!p0 [hbm:s0], s1  }
0x6a: {  	s0 =	simm.s32 @!p0 $0x3  }
0x6b: {  	_ =	swait.ge @!p0 [sflag:s0], s1  }
0x6c: {  	s1 =	ssub.s32 @!p0 $0x0, s1;
	[sflag:s0] =	ssyncset.done @!p0 $0x0  }
0x6d: {  	[sflag:s0] =	ssyncadd.s32 @!p0 s1  }
0x6e: {  	[bflag:$0x3] =	sbarrier.arrive $0xFFFF  }
0x6f: {  	_ =	shalt  }

// kernel: kernel.15.cloned.1.call-start
scs
__scs_entry_jumppad:
0x0: {  	(pc) =	sbr.rel $0x88, $3  }
0x1: {  	(tag) =	ssettag $0x0;
	lr =	simm.s32 $0x1  }
0x2: {  	[smem:$0x3F88] =	sst lr;
	_ =	strace $0xD0000000  }
0x3: {  	_ = 	snop  }
0x4: {  	_ = 	snop  }
0x5: {  	_ = 	snop  }
0x6: {  	_ = 	snop  }
0x7: {  	_ = 	snop  }
__scs_overlays_trampoline_lowered:
0x8: {  	[smem:$0x3F97] =	sst s0  }
0x9: {  	[smem:$0x3F98] =	sst s1  }
0xa: {  	[smem:$0x3F99] =	sst s2  }
0xb: {  	[smem:$0x3F9A] =	sst s3  }
0xc: {  	[smem:$0x3F9B] =	sst s4  }
0xd: {  	[smem:$0x3F9C] =	sst s5  }
0xe: {  	[smem:$0x3F9D] =	sst s6  }
0xf: {  	[smem:$0x3F9E] =	sst s7  }
0x10: {  	[smem:$0x3F9F] =	sst s8  }
0x11: {  	[smem:$0x3FA0] =	sst s9;
	s0 =	simm.s32 @!p0 $0x0  }
0x12: {  	s1 =	sld [smem:$0x3F86];
	s0 =	simm.s32 @p0 $0x1  }
0x13: {  	[smem:$0x3FA1] =	sst s0;
	s0 =	simm.s32 @!p1 $0x0  }
0x14: {  	s2 =	sld [smem:$0x3F85];
	s0 =	simm.s32 @p1 $0x1  }
0x15: {  	[smem:$0x3FA2] =	sst s0;
	s0 =	simm.s32 @!p2 $0x0  }
0x16: {  	s3 =	sld [smem:$0x3FDB];
	s0 =	simm.s32 @p2 $0x1  }
0x17: {  	s4 =	simm.s32 $0x1BF5;
	[smem:$0x3FA4] =	sst s0  }
0x18: {  	s0 =	sld [smem:$0x3F87];
	_ =	swait.ge [sflag:s4], $0x0  }
0x19: {  	s7 =	sld [smem:$0x3F88]  }
0x1a: {  	s8 =	sadd.s32 $0xFFFFE003, lr  }
0x1b: {  	s9 =	sadd.s32 $0xFFFFFEF7, lr;
	s5 =	simm.s32 $0xFFFFFFFF;
	p2 =	slt.u32 s8, $0xFFFFF086  }
0x1c: {  	p1 =	slt.u32 s9, $0xF7A;
	s5 =	simm.s32 @!p2 $0x0  }
0x1d: {  	s5 =	simm.s32 @p1 $0x1;
	p0 =	seq.s32 s7, s2  }
0x1e: {  	s7 =	smul.u32 @!p0 $0xF7A, s2;
	p2 =	seq.s32 @!p0 s5, $0x0  }
0x1f: {  	s9 =	smul.u32 $0xF7A, s1;
	s8 =	simm.s32 @!p0 $0x1BF5;
	p2 =	por !p2, p0  }
0x20: {  	[sflag:s8] =	ssyncset.s32 @!p0 $0xFFFFF086;
	s6 =	sadd.s32 @!p0 s3, s7;
	s7 =	simm.s32 @!p0 $0x108  }
0x21: {  	s3 =	sadd.s32 s3, s9;
	s6 =	sadd.s32 @!p0 $0x88, s6;
	s7 =	simm.s32 @p2 $0x1082  }
0x22: {  	[simem:s7], [sflag:s8] =	dma.local @!p0 [hbm:s6], $0xF7A  }
0x23: {  	s9 =	sor.u32 $0xD0000000, s2;
	s6 =	simm.s32 $0x108;
	_ =	swait.ge @!p0 [sflag:s8], $0x0  }
0x24: {  	s3 =	sadd.s32 $0x88, s3;
	s6 =	simm.s32 @!p1 $0x1082;
	[sflag:s4] =	ssyncset.s32 $0xFFFFF086  }
0x25: {  	[simem:s6], [sflag:s4] =	dma.local [hbm:s3], $0xF7A  }
0x26: {  	[smem:$0x3F88] =	sst s1;
	(tag) =	ssettag s2;
	_ =	strace s9  }
0x27: {  	s1 =	sld [smem:$0x3F98]  }
0x28: {  	s2 =	sld [smem:$0x3F99]  }
0x29: {  	s4 =	sld [smem:$0x3F9B]  }
0x2a: {  	p0 =	seq.s32 s5, $0x0;
	s5 =	sld [smem:$0x3F9C]  }
0x2b: {  	s6 =	sld [smem:$0x3F9D]  }
0x2c: {  	s7 =	sld [smem:$0x3F9E]  }
0x2d: {  	s3 =	simm.s32 $0x108;
	s8 =	sld [smem:$0x3F9F]  }
0x2e: {  	s3 =	simm.s32 @!p0 $0x1082;
	s9 =	sld [smem:$0x3FA0]  }
0x2f: {  	lr =	sadd.s32 s0, s3;
	s0 =	sld [smem:$0x3F97]  }
0x30: {  	s3 =	sld [smem:$0x3F9A]  }
0x31: {  	[smem:$0x3FA3] =	sst s10  }
0x32: {  	s10 =	sld [smem:$0x3FA1];
	_ =	sdelay $0x3  }
0x33: {  	p0 =	seq.s32 s10, $0x1;
	s10 =	sld [smem:$0x3FA3];
	_ =	sdelay $0x3  }
0x34: {  	[smem:$0x3FA3] =	sst s10  }
0x35: {  	s10 =	sld [smem:$0x3FA2];
	_ =	sdelay $0x3  }
0x36: {  	p1 =	seq.s32 s10, $0x1;
	s10 =	sld [smem:$0x3FA3];
	_ =	sdelay $0x3  }
0x37: {  	[smem:$0x3FA3] =	sst s10  }
0x38: {  	s10 =	sld [smem:$0x3FA4]  }
0x39: {  	_ = 	snop;
	(pc) =	sbr.ind lr, $3  }
0x3a: {  	_ = 	snop  }
0x3b: {  	_ = 	snop  }
0x3c: {  	p2 =	seq.s32 s10, $0x1;
	s10 =	sld [smem:$0x3FA3]  }
0x3d: {  	_ =	shalt  }
0x3e: {  	_ =	shalt  }
0x3f: {  	_ =	shalt  }
0x40: {  	_ =	shalt  }
0x41: {  	_ =	shalt  }
0x42: {  	_ =	shalt  }
0x43: {  	_ =	shalt  }
0x44: {  	_ =	shalt  }
0x45: {  	_ =	shalt  }
0x46: {  	_ =	shalt  }
0x47: {  	_ =	shalt  }
0x48: {  	_ =	shalt  }
0x49: {  	_ =	shalt  }
0x4a: {  	_ =	shalt  }
0x4b: {  	_ =	shalt  }
0x4c: {  	_ =	shalt  }
0x4d: {  	_ =	shalt  }
0x4e: {  	_ =	shalt  }
0x4f: {  	_ =	shalt  }
0x50: {  	_ =	shalt  }
0x51: {  	_ =	shalt  }
0x52: {  	_ =	shalt  }
0x53: {  	_ =	shalt  }
0x54: {  	_ =	shalt  }
0x55: {  	_ =	shalt  }
0x56: {  	_ =	shalt  }
0x57: {  	_ =	shalt  }
0x58: {  	_ =	shalt  }
0x59: {  	_ =	shalt  }
0x5a: {  	_ =	shalt  }
0x5b: {  	_ =	shalt  }
0x5c: {  	_ =	shalt  }
0x5d: {  	_ =	shalt  }
0x5e: {  	_ =	shalt  }
0x5f: {  	_ =	shalt  }
0x60: {  	_ =	shalt  }
0x61: {  	_ =	shalt  }
0x62: {  	_ =	shalt  }
0x63: {  	_ =	shalt  }
0x64: {  	_ =	shalt  }
0x65: {  	_ =	shalt  }
0x66: {  	_ =	shalt  }
0x67: {  	_ =	shalt  }
0x68: {  	_ =	shalt  }
0x69: {  	_ =	shalt  }
0x6a: {  	_ =	shalt  }
0x6b: {  	_ =	shalt  }
0x6c: {  	_ =	shalt  }
0x6d: {  	_ =	shalt  }
0x6e: {  	_ =	shalt  }
0x6f: {  	_ =	shalt  }
0x70: {  	_ =	shalt  }
0x71: {  	_ =	shalt  }
0x72: {  	_ =	shalt  }
0x73: {  	_ =	shalt  }
0x74: {  	_ =	shalt  }
0x75: {  	_ =	shalt  }
0x76: {  	_ =	shalt  }
0x77: {  	_ =	shalt  }
0x78: {  	_ =	shalt  }
0x79: {  	_ =	shalt  }
0x7a: {  	_ =	shalt  }
0x7b: {  	_ =	shalt  }
0x7c: {  	_ =	shalt  }
0x7d: {  	_ =	shalt  }
0x7e: {  	_ =	shalt  }
0x7f: {  	_ =	shalt  }
0x80: {  	_ =	shalt  }
0x81: {  	_ =	shalt  }
0x82: {  	_ =	shalt  }
0x83: {  	_ =	shalt  }
0x84: {  	_ =	shalt  }
0x85: {  	_ =	shalt  }
0x86: {  	_ =	shalt  }
0x87: {  	_ =	shalt  }
.Lfunc_end0:
.L_simem_size_0:
called_computation.2_lowered:
.L_overlay_start_0:
0x88: {  	s2 =	sld [smem:$0x3FD9]  }
0x89: {  	s3 =	sld [smem:$0x3FFE];
	_ =	sdelay $0x1  }
0x8a: {  	s1 =	srdreg.scid  }
0x8b: {  	s0 =	sand.u32 $0x1, s1  }
0x8c: {  	s16 =	sshll.u32 s0, $0xA;
	s2 =	sadd.s32 s3, s2  }
0x8d: {  	s2 =	sadd.s32 s2, s16  }
0x8e: {  	[smem:$0x3FAF] =	sst s2  }
0x8f: {  	_ = 	snop  }
0x90: {  	(tm) =	ssettm $0x1  }
0x91: {  	s17 =	sld [smem:$0x3FFB];
	_ =	sdelay $0x3  }
0x92: {  	_ =	strace s17  }
0x93: {  	s2 =	sld [smem:$0x3FFC];
	_ =	sdelay $0x3  }
0x94: {  	_ =	strace s2  }
0x95: {  	s2 =	sld [smem:$0x3FFD];
	_ =	sdelay $0x3  }
0x96: {  	_ =	strace s2  }
0x97: {  	_ =	strace $0x8FFFFFFF  }
0x98: {  	s18 =	sld [smem:$0x3FDB];
	_ =	sdelay $0x1  }
0x99: {  	s19 =	simm.s32 $_scs_section_size  }
0x9a: {  	s4 =	simm.s32 $_size__tile_overlayer_lowered;
	s5 =	simm.s32 $_tile_overlayer_lowered  }
0x9b: {  	s22 =	simm.s32 $0x1BFF;
	s21 =	sshll.u32 s5, $0x1;
	s2 =	sadd.s32 s19, s18  }
0x9c: {  	s6 =	simm.s32 $0x0;
	s20 =	sshll.u32 s4, $0x1;
	s4 =	sadd.s32 s21, s2  }
0x9d: {  	[timem:s6], [sflag:s22] =	dma.local [hbm:s4], s20  }
0x9e: {  	_ =	swait.ge [sflag:s22], s20  }
0x9f: {  	s3 =	ssub.s32 $0x0, s20;
	[sflag:s22] =	ssyncset.done $0x0  }
0xa0: {  	[sflag:s22] =	ssyncadd.s32 s3;
	_ =	sdelay $0x1  }
0xa1: {  	s23 =	simm.s32 $0x1B8B  }
0xa2: {  	_ =	swait.ge [sflag:s23], $0x1  }
0xa3: {  	[sflag:s23] =	ssyncset.done $0x0  }
0xa4: {  	s25 =	simm.s32 $0x1B8E;
	s24 =	sld [smem:$0x3FFE];
	[sflag:s23] =	ssyncadd.s32 $0xFFFFFFFF  }
0xa5: {  	s26 =	simm.s32 $execute0_lowered;
	[smem:$0x3FD2] =	sst s25  }
0xa6: {  	s4 =	sshll.u32 s26, $0x1;
	_ =	strace $0x8000004C;
	[dreg:$0x1] =	wrdreg $0xFFFFFFFF  }
0xa7: {  	s28 =	simm.s32 $_size_execute0_lowered;
	s2 =	sadd.s32 s2, s4;
	[dreg:$0x0] =	wrdreg $0x0  }
0xa8: {  	s4 =	sshll.u32 s28, $0x1;
	[dreg:$0x2] =	wrdreg s2  }
0xa9: {  	[dreg:$0x3] =	wrdreg s4  }
0xaa: {  	[dreg:$0x4] =	wrdreg $0xC0  }
0xab: {  	_ =	task [dreg:s6], $0x5FFFF  }
0xac: {  	[dreg:$0x1] =	wrdreg $0xFFFFFFFF  }
0xad: {  	[dreg:$0x0] =	wrdreg $0x60  }
0xae: {  	[dreg:$0x2] =	wrdreg s24  }
0xaf: {  	[dreg:$0x3] =	wrdreg $0xB0000  }
0xb0: {  	[dreg:$0x4] =	wrdreg $0x9  }
0xb1: {  	_ =	task.clear_ibuf [dreg:s6], $0x5FFFF;
	_ =	strace $0x9000004C  }
0xb2: {  	s29 =	simm.s32 $0x9;
	_ =	strace $0x8000004E  }
0xb3: {  	_ =	swait.ge [sflag:s29], $0x1  }
0xb4: {  	[sflag:s29] =	ssyncadd.s32 $0xFFFFFFFF  }
0xb5: {  	_ =	strace $0x9000004E  }
0xb6: {  	_ =	sfence  }
0xb7: {  	s30 =	sld [smem:$0x0];
	_ =	sdelay $0x2  }
0xb8: {  	s31 =	sshll.u32 s1, $0xD;
	s1 =	sshrl.u32 s1, $0x2  }
0xb9: {  	s3 =	sand.u32 $0x4000, s31;
	s1 =	sadd.s32 s1, s30  }
0xba: {  	s0 =	sor.u32 s3, s0;
	s1 =	sshll.u32 s1, $0x11  }
0xbb: {  	s0 =	sor.u32 s1, s0  }
0xbc: {  	s0 =	sadd.s32 $0x8F2B, s0  }
0xbd: {  	[sflag:s0] =	ssyncadd.remote.s32 $0x1  }
0xbe: {  	_ =	sfence.sel $0xFFFF  }
0xbf: {  	[dreg:$0x0] =	wrdreg $0xFFFFFFFF;
	(pc) =	sbr.abs _section_cstart, $3  }
0xc0: {  	[dreg:$0x1] =	wrdreg $0xFFFFFFFF  }
0xc1: {  	_ =	task.clear_ibuf [dreg:s6], $0x2FFFF;
	_ =	strace $0x9FFFFFFF  }
0xc2: {  	(tm) =	ssettm $0x7FFFFFFF  }
0xc3: {  	_ =	shalt  }
tec
execute0_lowered:
.L_overlay_start_1:
0x0: {  	(tag) =	ssettag $0x1  }
0x1: {  	s0 =	srdreg.scid;
	s6 =	rddreg [dreg:$0x0]  }
0x2: {  	s2 =	rddreg [dreg:$0x1];
	s3 =	simm.s32 $0x0;
	s11 =	simm.s32 $0x7D  }
0x3: {  	s12 =	simm.s32 $0x2800;
	s13 =	simm.s32 $0x80;
	s14 =	simm.s32 $0x6800  }
0x4: {  	s15 =	simm.s32 $0x1400;
	s16 =	simm.s32 $0xA800;
	s17 =	simm.s32 $0x1  }
0x5: {  	s18 =	simm.s32 $0x2;
	s19 =	simm.s32 $0x2700;
	s5 =	sand.u32 $0x1, s0  }
0x6: {  	s20 =	simm.s32 $0x2780;
	s0 =	stileid.u32;
	s8 =	smul.u32 $0x28000, s5  }
0x7: {  	s21 =	simm.s32 $0x0;
	[smem:$0x7FF] =	sst s3;
	s9 =	smul.u32 $0x2800, s0  }
0x8: {  	s1 =	sshll.u32 s5, $0x4;
	s5 =	ssub.s32 $0x2, s5;
	s10 =	smul.u32 $0x50000, s0  }
0x9: {  	s4 =	sor.u32 s0, s1;
	s1 =	rddreg [dreg:$0x2];
	_ =	strace $0x8000004D  }
0xa: {  	s30 =	sshrl.u32 s5, $0x1;
	s7 =	smul.u32 $0x1400, s4;
	s4 =	sadd.s32 $0xF800, s6  }
0xb: {  	s8 =	sadd.s32 s9, s8;
	s9 =	ssub.s32 s5, s30;
	s31 =	sshrl.u32 s10, $0x2  }
0xc: {  	s10 =	simm.s32 $0x3;
	s8 =	sadd.s32 s8, s6;
	s7 =	sshrl.u32 s7, $0x3  }
0xd: {  	s9 =	smax.u32 s9, $0x1;
	s8 =	sadd.s32 $0x36A00, s8;
	s7 =	sadd.s32 s7, s6  }
0xe: {  	v0 =	vimm.f32 $0.0e+00;
	s5 =	sadd.s32 $0x5800, s7;
	s6 =	sadd.s32 $0xA800, s7;
	s7 =	sadd.s32 s31, s2  }
.LBB2_1:
0xf: {  	[tilespmem:s3], [sflag:$0x3] =	stream.linear.gather [hbm4b:s5+s3], $0x1400, $0x38;
	[tilespmem:$0x1F000] =	vst v63  }
0x10: {  	_ =	swait.ge [sflag:s10], $0x1400  }
0x11: {  	[sflag:s10] =	ssyncset.done $0x0  }
0x12: {  	[sflag:s10] =	ssyncadd.s32 $0xFFFFEC00  }
0x13: {  	[tilespmem:s12], [sflag:$0x1] =	stream.indirect.gather [hbm4b:s4+s11], $0x80, s3, s11, $0xb8;
	[tilespmem:$0x1F000] =	vst v63  }
0x14: {  	_ = 	snop  }
0x15: {  	[tilespmem:s14], [sflag:$0x2] =	stream.indirect.gather [hbm4b:s4+s11], $0x80, s13, s11, $0xb8;
	[tilespmem:$0x1F000] =	vst v63  }
0x16: {  	_ = 	snop  }
0x17: {  	[tilespmem:s15], [sflag:$0x3] =	stream.linear.gather [hbm4b:s6+s3], $0x1400, $0x38;
	[tilespmem:$0x1F000] =	vst v63  }
0x18: {  	_ =	swait.ge [sflag:s10], $0x1400  }
0x19: {  	[sflag:s10] =	ssyncset.done $0x0  }
0x1a: {  	s22 =	simm.s32 $0x0;
	s23 =	simm.s32 $0x0;
	[sflag:s10] =	ssyncadd.s32 $0xFFFFEC00  }
.LBB2_2:
0x1b: {  	p0 =	sne.s32 s23, $0x1FC0  }
.Ltmp0:
0x1c: {  	_ = 	snop;
	(pc) =	sbr.rel @p0 .LBB2_2-.Ltmp0, $4  }
0x1d: {  	s24 =	sand.u32 $0x1E00, s23  }
0x1e: {  	s25 =	sand.u32 $0x70, s22;
	s24 =	sshrl.u32 s24, $0x2  }
0x1f: {  	s24 =	sor.u32 s25, s24  }
0x20: {  	s22 =	sadd.s32 $0x10, s22;
	s23 =	sadd.s32 $0x40, s23;
	[tilespmem:s24+$0xA800] =	vst v0  }
0x21: {  	s22 =	sadd.s32 $0x0, s7  }
0x22: {  	[spmem:s22] =	stream.linear.scatter [tilespmem:s16], [sflag:$0x3], $0x800, $0x38;
	[tilespmem:$0x1F000] =	vst v63  }
0x23: {  	s22 =	simm.s32 $0x2000;
	_ =	swait.ge [sflag:s10], $0x800  }
.LBB2_4:
0x24: {  	s23 =	sshra.s32 s22, $0x2;
	[sflag:s10] =	ssyncset.done $0x0;
	p0 =	sne.s32 s22, $0x4E000  }
.Ltmp1:
0x25: {  	s23 =	sadd.s32 s23, s7;
	[sflag:s10] =	ssyncadd.s32 $0xFFFFF800;
	(pc) =	sbr.rel @p0 .LBB2_4-.Ltmp1, $3  }
0x26: {  	[spmem:s23] =	stream.linear.scatter [tilespmem:s16], [sflag:$0x3], $0x800, $0x38;
	[tilespmem:$0x1F000] =	vst v63  }
0x27: {  	s22 =	sadd.s32 $0x2000, s22;
	_ =	sdelay $0x1  }
0x28: {  	_ =	swait.ge [sflag:s10], $0x800  }
0x29: {  	[sflag:s10] =	ssyncset.done $0x0  }
0x2a: {  	[sflag:s10] =	ssyncadd.s32 $0xFFFFF800  }
0x2b: {  	[bflag:$0x0] =	sbarrier.arrive $0xFFFF  }
0x2c: {  	_ =	swait.ge [sflag:s17], $0x3E80  }
0x2d: {  	[sflag:s17] =	ssyncset.done $0x0  }
0x2e: {  	s22 =	simm.s32 $0x1400;
	[sflag:s17] =	ssyncadd.s32 $0xFFFFC180  }
0x2f: {  	[spmem:s2] =	stream.indirect.scatter.add.f32 [tilespmem:s12], [sflag:$0x3], $0x80, s22, s11, $0xb8;
	[tilespmem:$0x1F000] =	vst v63  }
0x30: {  	_ =	swait.ge [sflag:s10], $0x3E80  }
0x31: {  	[sflag:s10] =	ssyncset.done $0x0  }
0x32: {  	s30 =	simm.s32 $0x100;
	[sflag:s10] =	ssyncadd.s32 $0xFFFFC180  }
0x33: {  	[tilespmem:s12], [sflag:$0x1] =	stream.indirect.gather [hbm4b:s4+s11], $0x80, s30, s11, $0xb8;
	[tilespmem:$0x1F000] =	vst v63  }
0x34: {  	_ =	swait.ge [sflag:s18], $0x3E80  }
0x35: {  	[sflag:s18] =	ssyncset.done $0x0  }
0x36: {  	s31 =	simm.s32 $0x1480;
	[sflag:s18] =	ssyncadd.s32 $0xFFFFC180  }
0x37: {  	[spmem:s2] =	stream.indirect.scatter.add.f32 [tilespmem:s14], [sflag:$0x3], $0x80, s31, s11, $0xb8;
	[tilespmem:$0x1F000] =	vst v63  }
0x38: {  	_ =	swait.ge [sflag:s10], $0x3E80  }
0x39: {  	[sflag:s10] =	ssyncset.done $0x0  }
0x3a: {  	s23 =	simm.s32 $0x180;
	s22 =	simm.s32 $0x400;
	[sflag:s10] =	ssyncadd.s32 $0xFFFFC180  }
.LBB2_6:
0x3b: {  	[tilespmem:s14], [sflag:$0x2] =	stream.indirect.gather [hbm4b:s4+s11], $0x80, s23, s11, $0xb8;
	[tilespmem:$0x1F000] =	vst v63  }
0x3c: {  	s23 =	smov.u32 s22  }
0x3d: {  	p0 =	sne.s32 s22, $0x4800;
	s22 =	sadd.s32 $0x400, s22;
	_ =	swait.ge [sflag:s17], $0x3E80  }
0x3e: {  	s23 =	sshra.s32 s23, $0x2;
	[sflag:s17] =	ssyncset.done $0x0  }
0x3f: {  	s24 =	sadd.s32 $0x1400, s23;
	[sflag:s17] =	ssyncadd.s32 $0xFFFFC180  }
0x40: {  	[spmem:s2] =	stream.indirect.scatter.add.f32 [tilespmem:s12], [sflag:$0x3], $0x80, s24, s11, $0xb8;
	[tilespmem:$0x1F000] =	vst v63  }
0x41: {  	_ =	swait.ge [sflag:s10], $0x3E80  }
0x42: {  	[sflag:s10] =	ssyncset.done $0x0  }
0x43: {  	s24 =	sadd.s32 $0x100, s23;
	[sflag:s10] =	ssyncadd.s32 $0xFFFFC180  }
0x44: {  	[tilespmem:s12], [sflag:$0x1] =	stream.indirect.gather [hbm4b:s4+s11], $0x80, s24, s11, $0xb8;
	[tilespmem:$0x1F000] =	vst v63  }
0x45: {  	_ =	swait.ge [sflag:s18], $0x3E80  }
0x46: {  	[sflag:s18] =	ssyncset.done $0x0  }
.Ltmp2:
0x47: {  	s24 =	sadd.s32 $0x1480, s23;
	[sflag:s18] =	ssyncadd.s32 $0xFFFFC180;
	(pc) =	sbr.rel @p0 .LBB2_6-.Ltmp2, $4  }
0x48: {  	[spmem:s2] =	stream.indirect.scatter.add.f32 [tilespmem:s14], [sflag:$0x3], $0x80, s24, s11, $0xb8;
	[tilespmem:$0x1F000] =	vst v63  }
0x49: {  	_ =	swait.ge [sflag:s10], $0x3E80  }
0x4a: {  	[sflag:s10] =	ssyncset.done $0x0  }
0x4b: {  	s23 =	sadd.s32 $0x180, s23;
	[sflag:s10] =	ssyncadd.s32 $0xFFFFC180  }
0x4c: {  	[tilespmem:s14], [sflag:$0x2] =	stream.indirect.gather [hbm4b:s4+s11], $0x80, s23, s11, $0xb8;
	[tilespmem:$0x1F000] =	vst v63  }
0x4d: {  	_ =	swait.ge [sflag:s17], $0x3E80  }
0x4e: {  	[sflag:s17] =	ssyncset.done $0x0  }
0x4f: {  	[sflag:s17] =	ssyncadd.s32 $0xFFFFC180  }
0x50: {  	[spmem:s2] =	stream.indirect.scatter.add.f32 [tilespmem:s12], [sflag:$0x3], $0x80, s19, s11, $0xb8;
	[tilespmem:$0x1F000] =	vst v63  }
0x51: {  	_ =	swait.ge [sflag:s10], $0x3E80  }
0x52: {  	[sflag:s10] =	ssyncset.done $0x0  }
0x53: {  	[sflag:s10] =	ssyncadd.s32 $0xFFFFC180  }
0x54: {  	_ =	swait.ge [sflag:s18], $0x3E80  }
0x55: {  	[sflag:s18] =	ssyncset.done $0x0  }
0x56: {  	[sflag:s18] =	ssyncadd.s32 $0xFFFFC180  }
0x57: {  	[spmem:s2] =	stream.indirect.scatter.add.f32 [tilespmem:s14], [sflag:$0x3], $0x80, s20, s11, $0xb8;
	[tilespmem:$0x1F000] =	vst v63  }
0x58: {  	_ =	swait.ge [sflag:s10], $0x3E80  }
0x59: {  	s22 =	sshll.u32 s0, $0x6;
	s21 =	sadd.s32 $0x1, s21;
	[sflag:s10] =	ssyncset.done $0x0  }
0x5a: {  	s31 =	sshrl.u32 s7, $0x3;
	p0 =	sne.s32 s21, s9;
	[sflag:s10] =	ssyncadd.s32 $0xFFFFC180  }
.Ltmp3:
0x5b: {  	s22 =	sor.u32 $0x1C03, s22;
	[bflag:$0x0] =	sbarrier.arrive $0xFFFF;
	(pc) =	sbr.rel @p0 .LBB2_1-.Ltmp3, $4  }
0x5c: {  	[hbm:s8], [sflag:s22] =	dma.local [spmem:s31], $0x2800  }
0x5d: {  	_ =	swait.ge [sflag:s10], $0x2800  }
0x5e: {  	[sflag:s10] =	ssyncset.done $0x0  }
0x5f: {  	[sflag:s10] =	ssyncadd.s32 $0xFFFFD800  }
0x60: {  	_ =	sfence.sel $0x180000  }
0x61: {  	[bflag:$0x0] =	sbarrier.arrive $0xFFFF  }
0x62: {  	p0 =	sne.s32 s0, $0x0;
	_ =	strace $0x9000004D  }
0x63: {  	s0 =	sadd.s32 @!p0 $0x100000, s1;
	[bflag:$0x2] =	sbarrier.arrive $0xFFFF  }
0x64: {  	[sflag:s0] =	ssyncadd.tile.s32 @!p0 $0x1;
	_ =	shalt  }
.Lfunc_end2:
_tile_overlayer_lowered:
.L_overlay_start_2:
0x65: {  	(tag) =	ssettag $0x2  }
0x66: {  	s0 =	rddreg [dreg:$0x0];
	s2 =	stileid.u32  }
0x67: {  	s1 =	rddreg [dreg:$0x1];
	p0 =	sne.s32 s2, $0x0  }
0x68: {  	s3 =	rddreg [dreg:$0x2];
	[bflag:$0x3] =	sbarrier.arrive $0xFFFF;
	s2 =	simm.s32 @!p0 $0x1C03  }
0x69: {  	[timem:s3], [sflag:s2] =	dma.local @!p0 [hbm:s0], s1  }
0x6a: {  	s0 =	simm.s32 @!p0 $0x3  }
0x6b: {  	_ =	swait.ge @!p0 [sflag:s0], s1  }
0x6c: {  	s1 =	ssub.s32 @!p0 $0x0, s1;
	[sflag:s0] =	ssyncset.done @!p0 $0x0  }
0x6d: {  	[sflag:s0] =	ssyncadd.s32 @!p0 s1  }
0x6e: {  	[bflag:$0x3] =	sbarrier.arrive $0xFFFF  }
0x6f: {  	_ =	shalt  }

// kernel: kernel.9.cloned.1.call-start
scs
__scs_entry_jumppad:
0x0: {  	(pc) =	sbr.rel $0x88, $3  }
0x1: {  	(tag) =	ssettag $0x0;
	lr =	simm.s32 $0x1  }
0x2: {  	[smem:$0x3F88] =	sst lr;
	_ =	strace $0xD0000000  }
0x3: {  	_ = 	snop  }
0x4: {  	_ = 	snop  }
0x5: {  	_ = 	snop  }
0x6: {  	_ = 	snop  }
0x7: {  	_ = 	snop  }
__scs_overlays_trampoline_lowered:
0x8: {  	[smem:$0x3F97] =	sst s0  }
0x9: {  	[smem:$0x3F98] =	sst s1  }
0xa: {  	[smem:$0x3F99] =	sst s2  }
0xb: {  	[smem:$0x3F9A] =	sst s3  }
0xc: {  	[smem:$0x3F9B] =	sst s4  }
0xd: {  	[smem:$0x3F9C] =	sst s5  }
0xe: {  	[smem:$0x3F9D] =	sst s6  }
0xf: {  	[smem:$0x3F9E] =	sst s7  }
0x10: {  	[smem:$0x3F9F] =	sst s8  }
0x11: {  	[smem:$0x3FA0] =	sst s9;
	s0 =	simm.s32 @!p0 $0x0  }
0x12: {  	s1 =	sld [smem:$0x3F86];
	s0 =	simm.s32 @p0 $0x1  }
0x13: {  	[smem:$0x3FA1] =	sst s0;
	s0 =	simm.s32 @!p1 $0x0  }
0x14: {  	s2 =	sld [smem:$0x3F85];
	s0 =	simm.s32 @p1 $0x1  }
0x15: {  	[smem:$0x3FA2] =	sst s0;
	s0 =	simm.s32 @!p2 $0x0  }
0x16: {  	s3 =	sld [smem:$0x3FDB];
	s0 =	simm.s32 @p2 $0x1  }
0x17: {  	s4 =	simm.s32 $0x1BF5;
	[smem:$0x3FA4] =	sst s0  }
0x18: {  	s0 =	sld [smem:$0x3F87];
	_ =	swait.ge [sflag:s4], $0x0  }
0x19: {  	s7 =	sld [smem:$0x3F88]  }
0x1a: {  	s8 =	sadd.s32 $0xFFFFE003, lr  }
0x1b: {  	s9 =	sadd.s32 $0xFFFFFEF7, lr;
	s5 =	simm.s32 $0xFFFFFFFF;
	p2 =	slt.u32 s8, $0xFFFFF086  }
0x1c: {  	p1 =	slt.u32 s9, $0xF7A;
	s5 =	simm.s32 @!p2 $0x0  }
0x1d: {  	s5 =	simm.s32 @p1 $0x1;
	p0 =	seq.s32 s7, s2  }
0x1e: {  	s7 =	smul.u32 @!p0 $0xF7A, s2;
	p2 =	seq.s32 @!p0 s5, $0x0  }
0x1f: {  	s9 =	smul.u32 $0xF7A, s1;
	s8 =	simm.s32 @!p0 $0x1BF5;
	p2 =	por !p2, p0  }
0x20: {  	[sflag:s8] =	ssyncset.s32 @!p0 $0xFFFFF086;
	s6 =	sadd.s32 @!p0 s3, s7;
	s7 =	simm.s32 @!p0 $0x108  }
0x21: {  	s3 =	sadd.s32 s3, s9;
	s6 =	sadd.s32 @!p0 $0x88, s6;
	s7 =	simm.s32 @p2 $0x1082  }
0x22: {  	[simem:s7], [sflag:s8] =	dma.local @!p0 [hbm:s6], $0xF7A  }
0x23: {  	s9 =	sor.u32 $0xD0000000, s2;
	s6 =	simm.s32 $0x108;
	_ =	swait.ge @!p0 [sflag:s8], $0x0  }
0x24: {  	s3 =	sadd.s32 $0x88, s3;
	s6 =	simm.s32 @!p1 $0x1082;
	[sflag:s4] =	ssyncset.s32 $0xFFFFF086  }
0x25: {  	[simem:s6], [sflag:s4] =	dma.local [hbm:s3], $0xF7A  }
0x26: {  	[smem:$0x3F88] =	sst s1;
	(tag) =	ssettag s2;
	_ =	strace s9  }
0x27: {  	s1 =	sld [smem:$0x3F98]  }
0x28: {  	s2 =	sld [smem:$0x3F99]  }
0x29: {  	s4 =	sld [smem:$0x3F9B]  }
0x2a: {  	p0 =	seq.s32 s5, $0x0;
	s5 =	sld [smem:$0x3F9C]  }
0x2b: {  	s6 =	sld [smem:$0x3F9D]  }
0x2c: {  	s7 =	sld [smem:$0x3F9E]  }
0x2d: {  	s3 =	simm.s32 $0x108;
	s8 =	sld [smem:$0x3F9F]  }
0x2e: {  	s3 =	simm.s32 @!p0 $0x1082;
	s9 =	sld [smem:$0x3FA0]  }
0x2f: {  	lr =	sadd.s32 s0, s3;
	s0 =	sld [smem:$0x3F97]  }
0x30: {  	s3 =	sld [smem:$0x3F9A]  }
0x31: {  	[smem:$0x3FA3] =	sst s10  }
0x32: {  	s10 =	sld [smem:$0x3FA1];
	_ =	sdelay $0x3  }
0x33: {  	p0 =	seq.s32 s10, $0x1;
	s10 =	sld [smem:$0x3FA3];
	_ =	sdelay $0x3  }
0x34: {  	[smem:$0x3FA3] =	sst s10  }
0x35: {  	s10 =	sld [smem:$0x3FA2];
	_ =	sdelay $0x3  }
0x36: {  	p1 =	seq.s32 s10, $0x1;
	s10 =	sld [smem:$0x3FA3];
	_ =	sdelay $0x3  }
0x37: {  	[smem:$0x3FA3] =	sst s10  }
0x38: {  	s10 =	sld [smem:$0x3FA4]  }
0x39: {  	_ = 	snop;
	(pc) =	sbr.ind lr, $3  }
0x3a: {  	_ = 	snop  }
0x3b: {  	_ = 	snop  }
0x3c: {  	p2 =	seq.s32 s10, $0x1;
	s10 =	sld [smem:$0x3FA3]  }
0x3d: {  	_ =	shalt  }
0x3e: {  	_ =	shalt  }
0x3f: {  	_ =	shalt  }
0x40: {  	_ =	shalt  }
0x41: {  	_ =	shalt  }
0x42: {  	_ =	shalt  }
0x43: {  	_ =	shalt  }
0x44: {  	_ =	shalt  }
0x45: {  	_ =	shalt  }
0x46: {  	_ =	shalt  }
0x47: {  	_ =	shalt  }
0x48: {  	_ =	shalt  }
0x49: {  	_ =	shalt  }
0x4a: {  	_ =	shalt  }
0x4b: {  	_ =	shalt  }
0x4c: {  	_ =	shalt  }
0x4d: {  	_ =	shalt  }
0x4e: {  	_ =	shalt  }
0x4f: {  	_ =	shalt  }
0x50: {  	_ =	shalt  }
0x51: {  	_ =	shalt  }
0x52: {  	_ =	shalt  }
0x53: {  	_ =	shalt  }
0x54: {  	_ =	shalt  }
0x55: {  	_ =	shalt  }
0x56: {  	_ =	shalt  }
0x57: {  	_ =	shalt  }
0x58: {  	_ =	shalt  }
0x59: {  	_ =	shalt  }
0x5a: {  	_ =	shalt  }
0x5b: {  	_ =	shalt  }
0x5c: {  	_ =	shalt  }
0x5d: {  	_ =	shalt  }
0x5e: {  	_ =	shalt  }
0x5f: {  	_ =	shalt  }
0x60: {  	_ =	shalt  }
0x61: {  	_ =	shalt  }
0x62: {  	_ =	shalt  }
0x63: {  	_ =	shalt  }
0x64: {  	_ =	shalt  }
0x65: {  	_ =	shalt  }
0x66: {  	_ =	shalt  }
0x67: {  	_ =	shalt  }
0x68: {  	_ =	shalt  }
0x69: {  	_ =	shalt  }
0x6a: {  	_ =	shalt  }
0x6b: {  	_ =	shalt  }
0x6c: {  	_ =	shalt  }
0x6d: {  	_ =	shalt  }
0x6e: {  	_ =	shalt  }
0x6f: {  	_ =	shalt  }
0x70: {  	_ =	shalt  }
0x71: {  	_ =	shalt  }
0x72: {  	_ =	shalt  }
0x73: {  	_ =	shalt  }
0x74: {  	_ =	shalt  }
0x75: {  	_ =	shalt  }
0x76: {  	_ =	shalt  }
0x77: {  	_ =	shalt  }
0x78: {  	_ =	shalt  }
0x79: {  	_ =	shalt  }
0x7a: {  	_ =	shalt  }
0x7b: {  	_ =	shalt  }
0x7c: {  	_ =	shalt  }
0x7d: {  	_ =	shalt  }
0x7e: {  	_ =	shalt  }
0x7f: {  	_ =	shalt  }
0x80: {  	_ =	shalt  }
0x81: {  	_ =	shalt  }
0x82: {  	_ =	shalt  }
0x83: {  	_ =	shalt  }
0x84: {  	_ =	shalt  }
0x85: {  	_ =	shalt  }
0x86: {  	_ =	shalt  }
0x87: {  	_ =	shalt  }
.Lfunc_end0:
.L_simem_size_0:
called_computation_lowered:
.L_overlay_start_0:
0x88: {  	s2 =	sld [smem:$0x3FD9]  }
0x89: {  	s3 =	sld [smem:$0x3FFE];
	_ =	sdelay $0x1  }
0x8a: {  	s1 =	srdreg.scid  }
0x8b: {  	s0 =	sand.u32 $0x1, s1  }
0x8c: {  	s16 =	sshll.u32 s0, $0xA;
	s2 =	sadd.s32 s3, s2  }
0x8d: {  	s2 =	sadd.s32 s2, s16  }
0x8e: {  	[smem:$0x3FAF] =	sst s2  }
0x8f: {  	_ = 	snop  }
0x90: {  	(tm) =	ssettm $0x1  }
0x91: {  	s17 =	sld [smem:$0x3FFB];
	_ =	sdelay $0x3  }
0x92: {  	_ =	strace s17  }
0x93: {  	s2 =	sld [smem:$0x3FFC];
	_ =	sdelay $0x3  }
0x94: {  	_ =	strace s2  }
0x95: {  	s2 =	sld [smem:$0x3FFD];
	_ =	sdelay $0x3  }
0x96: {  	_ =	strace s2  }
0x97: {  	_ =	strace $0x8FFFFFFF  }
0x98: {  	s18 =	sld [smem:$0x3FDB];
	_ =	sdelay $0x1  }
0x99: {  	s19 =	simm.s32 $_scs_section_size  }
0x9a: {  	s4 =	simm.s32 $_size__tile_overlayer_lowered;
	s5 =	simm.s32 $_tile_overlayer_lowered  }
0x9b: {  	s22 =	simm.s32 $0x1BFF;
	s21 =	sshll.u32 s5, $0x1;
	s2 =	sadd.s32 s19, s18  }
0x9c: {  	s6 =	simm.s32 $0x0;
	s20 =	sshll.u32 s4, $0x1;
	s4 =	sadd.s32 s21, s2  }
0x9d: {  	[timem:s6], [sflag:s22] =	dma.local [hbm:s4], s20  }
0x9e: {  	_ =	swait.ge [sflag:s22], s20  }
0x9f: {  	s3 =	ssub.s32 $0x0, s20;
	[sflag:s22] =	ssyncset.done $0x0  }
0xa0: {  	[sflag:s22] =	ssyncadd.s32 s3;
	_ =	sdelay $0x1  }
0xa1: {  	s23 =	simm.s32 $0x1B8B  }
0xa2: {  	_ =	swait.ge [sflag:s23], $0x1  }
0xa3: {  	[sflag:s23] =	ssyncset.done $0x0  }
0xa4: {  	s25 =	simm.s32 $0x1B8E;
	s24 =	sld [smem:$0x3FFE];
	[sflag:s23] =	ssyncadd.s32 $0xFFFFFFFF  }
0xa5: {  	s26 =	simm.s32 $execute0_lowered;
	[smem:$0x3FD2] =	sst s25  }
0xa6: {  	s4 =	sshll.u32 s26, $0x1;
	_ =	strace $0x80000046;
	[dreg:$0x1] =	wrdreg $0xFFFFFFFF  }
0xa7: {  	s28 =	simm.s32 $_size_execute0_lowered;
	s2 =	sadd.s32 s2, s4;
	[dreg:$0x0] =	wrdreg $0x0  }
0xa8: {  	s4 =	sshll.u32 s28, $0x1;
	[dreg:$0x2] =	wrdreg s2  }
0xa9: {  	[dreg:$0x3] =	wrdreg s4  }
0xaa: {  	[dreg:$0x4] =	wrdreg $0xC0  }
0xab: {  	_ =	task [dreg:s6], $0x5FFFF  }
0xac: {  	[dreg:$0x1] =	wrdreg $0xFFFFFFFF  }
0xad: {  	[dreg:$0x0] =	wrdreg $0x60  }
0xae: {  	[dreg:$0x2] =	wrdreg s24  }
0xaf: {  	[dreg:$0x3] =	wrdreg $0xB0000  }
0xb0: {  	[dreg:$0x4] =	wrdreg $0x9  }
0xb1: {  	_ =	task.clear_ibuf [dreg:s6], $0x5FFFF;
	_ =	strace $0x90000046  }
0xb2: {  	s29 =	simm.s32 $0x9;
	_ =	strace $0x80000048  }
0xb3: {  	_ =	swait.ge [sflag:s29], $0x1  }
0xb4: {  	[sflag:s29] =	ssyncadd.s32 $0xFFFFFFFF  }
0xb5: {  	_ =	strace $0x90000048  }
0xb6: {  	_ =	sfence  }
0xb7: {  	s30 =	sld [smem:$0x0];
	_ =	sdelay $0x2  }
0xb8: {  	s31 =	sshll.u32 s1, $0xD;
	s1 =	sshrl.u32 s1, $0x2  }
0xb9: {  	s3 =	sand.u32 $0x4000, s31;
	s1 =	sadd.s32 s1, s30  }
0xba: {  	s0 =	sor.u32 s3, s0;
	s1 =	sshll.u32 s1, $0x11  }
0xbb: {  	s0 =	sor.u32 s1, s0  }
0xbc: {  	s0 =	sadd.s32 $0x8F2B, s0  }
0xbd: {  	[sflag:s0] =	ssyncadd.remote.s32 $0x1  }
0xbe: {  	_ =	sfence.sel $0xFFFF  }
0xbf: {  	[dreg:$0x0] =	wrdreg $0xFFFFFFFF;
	(pc) =	sbr.abs _section_cstart, $3  }
0xc0: {  	[dreg:$0x1] =	wrdreg $0xFFFFFFFF  }
0xc1: {  	_ =	task.clear_ibuf [dreg:s6], $0x2FFFF;
	_ =	strace $0x9FFFFFFF  }
0xc2: {  	(tm) =	ssettm $0x7FFFFFFF  }
0xc3: {  	_ =	shalt  }
tec
execute0_lowered:
.L_overlay_start_1:
0x0: {  	(tag) =	ssettag $0x1  }
0x1: {  	s0 =	srdreg.scid;
	s6 =	rddreg [dreg:$0x0]  }
0x2: {  	s2 =	rddreg [dreg:$0x1];
	s3 =	simm.s32 $0x0;
	s11 =	simm.s32 $0x7D  }
0x3: {  	s12 =	simm.s32 $0x2800;
	s13 =	simm.s32 $0x80;
	s14 =	simm.s32 $0x6800  }
0x4: {  	s15 =	simm.s32 $0x1400;
	s16 =	simm.s32 $0xA800;
	s17 =	simm.s32 $0x1  }
0x5: {  	s18 =	simm.s32 $0x2;
	s19 =	simm.s32 $0x2700;
	s5 =	sand.u32 $0x1, s0  }
0x6: {  	s20 =	simm.s32 $0x2780;
	s0 =	stileid.u32;
	s8 =	smul.u32 $0x28000, s5  }
0x7: {  	s21 =	simm.s32 $0x0;
	[smem:$0x7FF] =	sst s3;
	s9 =	smul.u32 $0x2800, s0  }
0x8: {  	s1 =	sshll.u32 s5, $0x4;
	s5 =	ssub.s32 $0x2, s5;
	s10 =	smul.u32 $0x50000, s0  }
0x9: {  	s4 =	sor.u32 s0, s1;
	s1 =	rddreg [dreg:$0x2];
	_ =	strace $0x80000047  }
0xa: {  	s30 =	sshrl.u32 s5, $0x1;
	s7 =	smul.u32 $0x1400, s4;
	s4 =	sadd.s32 $0xF800, s6  }
0xb: {  	s8 =	sadd.s32 s9, s8;
	s9 =	ssub.s32 s5, s30;
	s31 =	sshrl.u32 s10, $0x2  }
0xc: {  	s10 =	simm.s32 $0x3;
	s8 =	sadd.s32 s8, s6;
	s7 =	sshrl.u32 s7, $0x3  }
0xd: {  	s9 =	smax.u32 s9, $0x1;
	s8 =	sadd.s32 $0x36A00, s8;
	s7 =	sadd.s32 s7, s6  }
0xe: {  	v0 =	vimm.f32 $0.0e+00;
	s5 =	sadd.s32 $0x5800, s7;
	s6 =	sadd.s32 $0xA800, s7;
	s7 =	sadd.s32 s31, s2  }
.LBB2_1:
0xf: {  	[tilespmem:s3], [sflag:$0x3] =	stream.linear.gather [hbm4b:s5+s3], $0x1400, $0x38;
	[tilespmem:$0x1F000] =	vst v63  }
0x10: {  	_ =	swait.ge [sflag:s10], $0x1400  }
0x11: {  	[sflag:s10] =	ssyncset.done $0x0  }
0x12: {  	[sflag:s10] =	ssyncadd.s32 $0xFFFFEC00  }
0x13: {  	[tilespmem:s12], [sflag:$0x1] =	stream.indirect.gather [hbm4b:s4+s11], $0x80, s3, s11, $0xb8;
	[tilespmem:$0x1F000] =	vst v63  }
0x14: {  	_ = 	snop  }
0x15: {  	[tilespmem:s14], [sflag:$0x2] =	stream.indirect.gather [hbm4b:s4+s11], $0x80, s13, s11, $0xb8;
	[tilespmem:$0x1F000] =	vst v63  }
0x16: {  	_ = 	snop  }
0x17: {  	[tilespmem:s15], [sflag:$0x3] =	stream.linear.gather [hbm4b:s6+s3], $0x1400, $0x38;
	[tilespmem:$0x1F000] =	vst v63  }
0x18: {  	_ =	swait.ge [sflag:s10], $0x1400  }
0x19: {  	[sflag:s10] =	ssyncset.done $0x0  }
0x1a: {  	s22 =	simm.s32 $0x0;
	s23 =	simm.s32 $0x0;
	[sflag:s10] =	ssyncadd.s32 $0xFFFFEC00  }
.LBB2_2:
0x1b: {  	p0 =	sne.s32 s23, $0x1FC0  }
.Ltmp0:
0x1c: {  	_ = 	snop;
	(pc) =	sbr.rel @p0 .LBB2_2-.Ltmp0, $4  }
0x1d: {  	s24 =	sand.u32 $0x1E00, s23  }
0x1e: {  	s25 =	sand.u32 $0x70, s22;
	s24 =	sshrl.u32 s24, $0x2  }
0x1f: {  	s24 =	sor.u32 s25, s24  }
0x20: {  	s22 =	sadd.s32 $0x10, s22;
	s23 =	sadd.s32 $0x40, s23;
	[tilespmem:s24+$0xA800] =	vst v0  }
0x21: {  	s22 =	sadd.s32 $0x0, s7  }
0x22: {  	[spmem:s22] =	stream.linear.scatter [tilespmem:s16], [sflag:$0x3], $0x800, $0x38;
	[tilespmem:$0x1F000] =	vst v63  }
0x23: {  	s22 =	simm.s32 $0x2000;
	_ =	swait.ge [sflag:s10], $0x800  }
.LBB2_4:
0x24: {  	s23 =	sshra.s32 s22, $0x2;
	[sflag:s10] =	ssyncset.done $0x0;
	p0 =	sne.s32 s22, $0x4E000  }
.Ltmp1:
0x25: {  	s23 =	sadd.s32 s23, s7;
	[sflag:s10] =	ssyncadd.s32 $0xFFFFF800;
	(pc) =	sbr.rel @p0 .LBB2_4-.Ltmp1, $3  }
0x26: {  	[spmem:s23] =	stream.linear.scatter [tilespmem:s16], [sflag:$0x3], $0x800, $0x38;
	[tilespmem:$0x1F000] =	vst v63  }
0x27: {  	s22 =	sadd.s32 $0x2000, s22;
	_ =	sdelay $0x1  }
0x28: {  	_ =	swait.ge [sflag:s10], $0x800  }
0x29: {  	[sflag:s10] =	ssyncset.done $0x0  }
0x2a: {  	[sflag:s10] =	ssyncadd.s32 $0xFFFFF800  }
0x2b: {  	[bflag:$0x0] =	sbarrier.arrive $0xFFFF  }
0x2c: {  	_ =	swait.ge [sflag:s17], $0x3E80  }
0x2d: {  	[sflag:s17] =	ssyncset.done $0x0  }
0x2e: {  	s22 =	simm.s32 $0x1400;
	[sflag:s17] =	ssyncadd.s32 $0xFFFFC180  }
0x2f: {  	[spmem:s2] =	stream.indirect.scatter.add.f32 [tilespmem:s12], [sflag:$0x3], $0x80, s22, s11, $0xb8;
	[tilespmem:$0x1F000] =	vst v63  }
0x30: {  	_ =	swait.ge [sflag:s10], $0x3E80  }
0x31: {  	[sflag:s10] =	ssyncset.done $0x0  }
0x32: {  	s30 =	simm.s32 $0x100;
	[sflag:s10] =	ssyncadd.s32 $0xFFFFC180  }
0x33: {  	[tilespmem:s12], [sflag:$0x1] =	stream.indirect.gather [hbm4b:s4+s11], $0x80, s30, s11, $0xb8;
	[tilespmem:$0x1F000] =	vst v63  }
0x34: {  	_ =	swait.ge [sflag:s18], $0x3E80  }
0x35: {  	[sflag:s18] =	ssyncset.done $0x0  }
0x36: {  	s31 =	simm.s32 $0x1480;
	[sflag:s18] =	ssyncadd.s32 $0xFFFFC180  }
0x37: {  	[spmem:s2] =	stream.indirect.scatter.add.f32 [tilespmem:s14], [sflag:$0x3], $0x80, s31, s11, $0xb8;
	[tilespmem:$0x1F000] =	vst v63  }
0x38: {  	_ =	swait.ge [sflag:s10], $0x3E80  }
0x39: {  	[sflag:s10] =	ssyncset.done $0x0  }
0x3a: {  	s23 =	simm.s32 $0x180;
	s22 =	simm.s32 $0x400;
	[sflag:s10] =	ssyncadd.s32 $0xFFFFC180  }
.LBB2_6:
0x3b: {  	[tilespmem:s14], [sflag:$0x2] =	stream.indirect.gather [hbm4b:s4+s11], $0x80, s23, s11, $0xb8;
	[tilespmem:$0x1F000] =	vst v63  }
0x3c: {  	s23 =	smov.u32 s22  }
0x3d: {  	p0 =	sne.s32 s22, $0x4800;
	s22 =	sadd.s32 $0x400, s22;
	_ =	swait.ge [sflag:s17], $0x3E80  }
0x3e: {  	s23 =	sshra.s32 s23, $0x2;
	[sflag:s17] =	ssyncset.done $0x0  }
0x3f: {  	s24 =	sadd.s32 $0x1400, s23;
	[sflag:s17] =	ssyncadd.s32 $0xFFFFC180  }
0x40: {  	[spmem:s2] =	stream.indirect.scatter.add.f32 [tilespmem:s12], [sflag:$0x3], $0x80, s24, s11, $0xb8;
	[tilespmem:$0x1F000] =	vst v63  }
0x41: {  	_ =	swait.ge [sflag:s10], $0x3E80  }
0x42: {  	[sflag:s10] =	ssyncset.done $0x0  }
0x43: {  	s24 =	sadd.s32 $0x100, s23;
	[sflag:s10] =	ssyncadd.s32 $0xFFFFC180  }
0x44: {  	[tilespmem:s12], [sflag:$0x1] =	stream.indirect.gather [hbm4b:s4+s11], $0x80, s24, s11, $0xb8;
	[tilespmem:$0x1F000] =	vst v63  }
0x45: {  	_ =	swait.ge [sflag:s18], $0x3E80  }
0x46: {  	[sflag:s18] =	ssyncset.done $0x0  }
.Ltmp2:
0x47: {  	s24 =	sadd.s32 $0x1480, s23;
	[sflag:s18] =	ssyncadd.s32 $0xFFFFC180;
	(pc) =	sbr.rel @p0 .LBB2_6-.Ltmp2, $4  }
0x48: {  	[spmem:s2] =	stream.indirect.scatter.add.f32 [tilespmem:s14], [sflag:$0x3], $0x80, s24, s11, $0xb8;
	[tilespmem:$0x1F000] =	vst v63  }
0x49: {  	_ =	swait.ge [sflag:s10], $0x3E80  }
0x4a: {  	[sflag:s10] =	ssyncset.done $0x0  }
0x4b: {  	s23 =	sadd.s32 $0x180, s23;
	[sflag:s10] =	ssyncadd.s32 $0xFFFFC180  }
0x4c: {  	[tilespmem:s14], [sflag:$0x2] =	stream.indirect.gather [hbm4b:s4+s11], $0x80, s23, s11, $0xb8;
	[tilespmem:$0x1F000] =	vst v63  }
0x4d: {  	_ =	swait.ge [sflag:s17], $0x3E80  }
0x4e: {  	[sflag:s17] =	ssyncset.done $0x0  }
0x4f: {  	[sflag:s17] =	ssyncadd.s32 $0xFFFFC180  }
0x50: {  	[spmem:s2] =	stream.indirect.scatter.add.f32 [tilespmem:s12], [sflag:$0x3], $0x80, s19, s11, $0xb8;
	[tilespmem:$0x1F000] =	vst v63  }
0x51: {  	_ =	swait.ge [sflag:s10], $0x3E80  }
0x52: {  	[sflag:s10] =	ssyncset.done $0x0  }
0x53: {  	[sflag:s10] =	ssyncadd.s32 $0xFFFFC180  }
0x54: {  	_ =	swait.ge [sflag:s18], $0x3E80  }
0x55: {  	[sflag:s18] =	ssyncset.done $0x0  }
0x56: {  	[sflag:s18] =	ssyncadd.s32 $0xFFFFC180  }
0x57: {  	[spmem:s2] =	stream.indirect.scatter.add.f32 [tilespmem:s14], [sflag:$0x3], $0x80, s20, s11, $0xb8;
	[tilespmem:$0x1F000] =	vst v63  }
0x58: {  	_ =	swait.ge [sflag:s10], $0x3E80  }
0x59: {  	s22 =	sshll.u32 s0, $0x6;
	s21 =	sadd.s32 $0x1, s21;
	[sflag:s10] =	ssyncset.done $0x0  }
0x5a: {  	s31 =	sshrl.u32 s7, $0x3;
	p0 =	sne.s32 s21, s9;
	[sflag:s10] =	ssyncadd.s32 $0xFFFFC180  }
.Ltmp3:
0x5b: {  	s22 =	sor.u32 $0x1C03, s22;
	[bflag:$0x0] =	sbarrier.arrive $0xFFFF;
	(pc) =	sbr.rel @p0 .LBB2_1-.Ltmp3, $4  }
0x5c: {  	[hbm:s8], [sflag:s22] =	dma.local [spmem:s31], $0x2800  }
0x5d: {  	_ =	swait.ge [sflag:s10], $0x2800  }
0x5e: {  	[sflag:s10] =	ssyncset.done $0x0  }
0x5f: {  	[sflag:s10] =	ssyncadd.s32 $0xFFFFD800  }
0x60: {  	_ =	sfence.sel $0x180000  }
0x61: {  	[bflag:$0x0] =	sbarrier.arrive $0xFFFF  }
0x62: {  	p0 =	sne.s32 s0, $0x0;
	_ =	strace $0x90000047  }
0x63: {  	s0 =	sadd.s32 @!p0 $0x100000, s1;
	[bflag:$0x2] =	sbarrier.arrive $0xFFFF  }
0x64: {  	[sflag:s0] =	ssyncadd.tile.s32 @!p0 $0x1;
	_ =	shalt  }
.Lfunc_end2:
_tile_overlayer_lowered:
.L_overlay_start_2:
0x65: {  	(tag) =	ssettag $0x2  }
0x66: {  	s0 =	rddreg [dreg:$0x0];
	s2 =	stileid.u32  }
0x67: {  	s1 =	rddreg [dreg:$0x1];
	p0 =	sne.s32 s2, $0x0  }
0x68: {  	s3 =	rddreg [dreg:$0x2];
	[bflag:$0x3] =	sbarrier.arrive $0xFFFF;
	s2 =	simm.s32 @!p0 $0x1C03  }
0x69: {  	[timem:s3], [sflag:s2] =	dma.local @!p0 [hbm:s0], s1  }
0x6a: {  	s0 =	simm.s32 @!p0 $0x3  }
0x6b: {  	_ =	swait.ge @!p0 [sflag:s0], s1  }
0x6c: {  	s1 =	ssub.s32 @!p0 $0x0, s1;
	[sflag:s0] =	ssyncset.done @!p0 $0x0  }
0x6d: {  	[sflag:s0] =	ssyncadd.s32 @!p0 s1  }
0x6e: {  	[bflag:$0x3] =	sbarrier.arrive $0xFFFF  }
0x6f: {  	_ =	shalt  }

</sc_bundles>
